<compile_context>
chip_gen: v7x
topology: tpu7x:2x2x1
jax: 0.10.2.dev20260603
libtpu: 0.0.44.dev20260713+nightly
codegen_flags: <defaults>
</compile_context>

<pallas_src>
import functools
import math

import jax
import jax.numpy as jnp
from jax.experimental import pallas as pl
from jax.experimental.pallas import tpu as pltpu
from jax.experimental.pallas import tpu_sc as plsc

_N = 20000
_F = 32
_NB = 32
_DK = 16
_EMB = 32
_ALPHA = 0.2
_ISCALE = 1.0 / math.sqrt(_DK)
_EXT = 80
_BN = 160
_NG = 4
_G = _BN // _NG
_GF = _NG * _F


def _sc_gather(data, idx, chunk):
    b = idx.shape[0]
    d = data.shape[1]
    n_workers = 32
    bpw = b // n_workers
    assert b % (8 * n_workers) == 0 and bpw % (2 * chunk) == 0 and chunk % 8 == 0
    mesh = plsc.VectorSubcoreMesh(core_axis_name="c", subcore_axis_name="s")

    @functools.partial(
        pl.kernel, mesh=mesh,
        out_type=jax.ShapeDtypeStruct((b, d), data.dtype),
        compiler_params=pltpu.CompilerParams(use_tc_tiling_on_sc=False),
        scratch_types=[
            pltpu.VMEM((chunk,), jnp.int32),
            pltpu.VMEM((chunk,), jnp.int32),
            pltpu.VMEM((chunk, d), data.dtype),
            pltpu.VMEM((chunk, d), data.dtype),
            pltpu.SemaphoreType.DMA,
            pltpu.SemaphoreType.DMA,
            pltpu.SemaphoreType.DMA,
            pltpu.SemaphoreType.DMA,
        ],
    )
    def _gather_kernel(table_hbm, idx_hbm, out_hbm, i0, i1, r0, r1,
                       sg0, sg1, ss0, ss1):
        wid = jax.lax.axis_index("s") * 2 + jax.lax.axis_index("c")
        base = wid * bpw

        @pl.loop(0, bpw, step=2 * chunk)
        def _(j):
            pltpu.sync_copy(idx_hbm.at[pl.ds(base + j, chunk)], i0)
            g0 = pltpu.async_copy(table_hbm.at[i0], r0, sg0)
            pltpu.sync_copy(idx_hbm.at[pl.ds(base + j + chunk, chunk)], i1)
            g1 = pltpu.async_copy(table_hbm.at[i1], r1, sg1)
            g0.wait()
            s0 = pltpu.async_copy(r0, out_hbm.at[pl.ds(base + j, chunk)], ss0)
            g1.wait()
            s1 = pltpu.async_copy(r1, out_hbm.at[pl.ds(base + j + chunk, chunk)], ss1)
            s0.wait()
            s1.wait()

    return _gather_kernel(data, idx)


def _smax_wsum(s, xp_w):
    m = jnp.max(s, axis=-1, keepdims=True)
    e = jnp.exp(s - m)
    nd = jax.lax.dot_general(
        e, xp_w, (((2,), (1,)), ((0,), (0,))),
        preferred_element_type=jnp.float32)
    return nd[..., 0] / nd[..., 1]


def _dense1_body(h_ref, hp_ref, hkt_ref, ww_ref, wb_ref, qkw_ref, qkb_ref,
                 ag_ref, bdre_ref, bdcc_ref, bdx_ref,
                 mask_ref, hrep_ref, hccp_ref, extras_ref):
    x = h_ref[...]
    xp = hp_ref[...]
    u = jnp.maximum(x[:, :, None] * ww_ref[0] + wb_ref[0], 0.0)
    u2 = u.reshape(_BN * _F, _DK)
    qk2 = jnp.dot(u2, qkw_ref[...], preferred_element_type=jnp.float32) + qkb_ref[...]
    q2 = qk2[:, :_DK]
    q3 = q2.reshape(_G, _GF, _DK)
    k3 = qk2[:, _DK:].reshape(_G, _GF, _DK)
    mask = mask_ref[...]
    xp_w = jnp.stack([xp, jnp.ones_like(xp)], axis=-1)
    sre = jax.lax.dot_general(
        q3, k3, (((2,), (2,)), ((0,), (0,))),
        preferred_element_type=jnp.float32) + mask
    hrep = _smax_wsum(sre, xp_w) + xp
    b3 = jnp.dot(q2, ag_ref[...],
                 preferred_element_type=jnp.float32).reshape(_G, _GF, _NB)
    hkt = hkt_ref[...].reshape(_G, _NB, _GF)
    scc = jax.lax.dot_general(
        b3, hkt, (((2,), (1,)), ((0,), (0,))),
        preferred_element_type=jnp.float32) + mask
    hccp = _smax_wsum(scc, xp_w) + xp
    whcc = (jnp.dot(hrep, bdre_ref[...], preferred_element_type=jnp.float32)
            + jnp.dot(hccp, bdcc_ref[...], preferred_element_type=jnp.float32))
    extras = jnp.dot(whcc, bdx_ref[...], preferred_element_type=jnp.float32)
    hrep_ref[...] = hrep
    hccp_ref[...] = hccp
    extras_ref[...] = extras


_BNP = 2000


def _perm_idx_body(i_ref, p_ref, o_ref):
    v = i_ref[...]
    lo = (v & 255).astype(jnp.float32)
    hi = (v >> 8).astype(jnp.float32)
    p = p_ref[...]
    lop = jnp.dot(lo, p, preferred_element_type=jnp.float32)
    hip = jnp.dot(hi, p, preferred_element_type=jnp.float32)
    o_ref[...] = ((hip + 0.5).astype(jnp.int32) * 256
                  + (lop + 0.5).astype(jnp.int32))


def _pack_ext_body(hre_ref, hcc_ref, ex_ref, ext_ref):
    pad = jnp.zeros((_BNP, _EXT - 2 * _F - 2), jnp.float32)
    ext_ref[...] = jnp.concatenate(
        [hre_ref[...], hcc_ref[...], ex_ref[:, 0:2], pad], axis=-1)


def _final_body(g_ref, ext_ref, out_ref):
    g = g_ref[...].reshape(_BN, _NB, _EXT)
    w1 = g[:, :, 2 * _F]
    w2 = ext_ref[:, 2 * _F + 1:2 * _F + 2]
    e = w1 + w2
    e = jnp.where(e >= 0, e, _ALPHA * e)
    a = jax.nn.softmax(e, axis=-1)
    out = jnp.sum(a[:, :, None] * g[:, :, :2 * _F], axis=1) + ext_ref[:, :2 * _F]
    out_ref[...] = jnp.where(out > 0, out, jnp.exp(out) - 1.0)


def kernel(h, kadj, Wh_w, Wh_b, Q_w, Q_b, K_w, K_b, a_gene_cc, W_cell_cc,
           a_cell_cc):
    kadj32 = kadj.astype(jnp.int32)
    idx = kadj32.reshape(_N * _NB)
    jj = jnp.arange(_GF) // _NB
    kk = jnp.arange(_GF) % _NB
    permmat = jax.nn.one_hot(kk * _NG + jj, _GF, dtype=jnp.float32)
    idx_p = pl.pallas_call(
        _perm_idx_body,
        grid=(1,),
        in_specs=[
            pl.BlockSpec((_N * _NB // _GF, _GF), lambda i: (0, 0)),
            pl.BlockSpec((_GF, _GF), lambda i: (0, 0)),
        ],
        out_specs=pl.BlockSpec((_N * _NB // _GF, _GF), lambda i: (0, 0)),
        out_shape=jax.ShapeDtypeStruct((_N * _NB // _GF, _GF), jnp.int32),
    )(idx.reshape(_N * _NB // _GF, _GF), permmat).reshape(_N * _NB)
    hkt = _sc_gather(h, idx_p, 1000).reshape(_N * _NB // _NG, _GF)

    hp = h.reshape(_N // _NG, _GF)
    ww = Wh_w.reshape(1, _DK)
    wb = Wh_b.reshape(1, _DK)
    qkw = jnp.concatenate([Q_w.T * _ISCALE, K_w.T], axis=1)
    qkb = jnp.concatenate([Q_b * _ISCALE, K_b]).reshape(1, 2 * _DK)
    eye = jnp.eye(_NG, dtype=jnp.float32)
    bdre = jnp.kron(eye, W_cell_cc[:_F])
    bdcc = jnp.kron(eye, W_cell_cc[_F:])
    xblk = jnp.concatenate(
        [a_cell_cc[:_EMB], a_cell_cc[_EMB:],
         jnp.zeros((_EMB, _F - 2), jnp.float32)], axis=1)
    bdx = jnp.kron(eye, xblk)
    gi = jnp.arange(_GF, dtype=jnp.int32) // _F
    mask = jnp.where(gi[:, None] == gi[None, :], 0.0, -1e30).astype(jnp.float32)

    grid = (_N // _BN,)
    rep = lambda i: (0, 0)
    blk = lambda i: (i, 0)
    hrep, hccp, extras = pl.pallas_call(
        _dense1_body,
        grid=grid,
        in_specs=[
            pl.BlockSpec((_BN, _F), blk),
            pl.BlockSpec((_G, _GF), blk),
            pl.BlockSpec((_BN * _NB // _NG, _GF), blk),
            pl.BlockSpec((1, _DK), rep),
            pl.BlockSpec((1, _DK), rep),
            pl.BlockSpec((_DK, 2 * _DK), rep),
            pl.BlockSpec((1, 2 * _DK), rep),
            pl.BlockSpec((_DK, _NB), rep),
            pl.BlockSpec((_GF, _GF), rep),
            pl.BlockSpec((_GF, _GF), rep),
            pl.BlockSpec((_GF, _GF), rep),
            pl.BlockSpec((_GF, _GF), rep),
        ],
        out_specs=[
            pl.BlockSpec((_G, _GF), blk),
            pl.BlockSpec((_G, _GF), blk),
            pl.BlockSpec((_G, _GF), blk),
        ],
        out_shape=[
            jax.ShapeDtypeStruct((_N // _NG, _GF), jnp.float32),
            jax.ShapeDtypeStruct((_N // _NG, _GF), jnp.float32),
            jax.ShapeDtypeStruct((_N // _NG, _GF), jnp.float32),
        ],
    )(h, hp, hkt, ww, wb, qkw, qkb, a_gene_cc, bdre, bdcc, bdx, mask)

    hre = hrep.reshape(_N, _F)
    hcc = hccp.reshape(_N, _F)
    ex = extras.reshape(_N, _F)

    ext = pl.pallas_call(
        _pack_ext_body,
        grid=(_N // _BNP,),
        in_specs=[
            pl.BlockSpec((_BNP, _F), blk),
            pl.BlockSpec((_BNP, _F), blk),
            pl.BlockSpec((_BNP, _F), blk),
        ],
        out_specs=pl.BlockSpec((_BNP, _EXT), blk),
        out_shape=jax.ShapeDtypeStruct((_N, _EXT), jnp.float32),
    )(hre, hcc, ex)

    g = _sc_gather(ext, idx, 400)

    out = pl.pallas_call(
        _final_body,
        grid=grid,
        in_specs=[
            pl.BlockSpec((_BN * _NB, _EXT), blk),
            pl.BlockSpec((_BN, _EXT), blk),
        ],
        out_specs=pl.BlockSpec((_BN, 2 * _F), blk),
        out_shape=jax.ShapeDtypeStruct((_N, 2 * _F), jnp.float32),
    )(g, ext)
    return out

# --- scband reference (transcript-rebuilt; emitter-appended) ---
"""Pipeline reference for scband-neighbor-attention-layer-52501680226798 (READ-ONLY COPY).

The authoritative reference and input builder live on the scoring server;
editing this copy changes nothing except your own understanding.
"""

import jax, jax.numpy as jnp
import numpy as np
import math

N = 20000
F = 32
NB = 32
DK = 16
EMB = 32
ALPHA = 0.2
SCALE = math.sqrt(DK)


def _xavier(key, shape, gain=1.414):
    a = gain * math.sqrt(6.0 / (shape[0] + shape[1]))
    return jax.random.uniform(key, shape, dtype=jnp.float32, minval=-a, maxval=a)


def setup_inputs(seed: int = 0) -> dict:
    key = jax.random.key(seed)
    ks = jax.random.split(key, 10)
    h = jax.random.normal(ks[0], (N, F), dtype=jnp.float32)
    kadj = jax.random.randint(ks[1], (N, NB), 0, N, dtype=jnp.int64) if jax.config.jax_enable_x64 else jax.random.randint(ks[1], (N, NB), 0, N, dtype=jnp.int32)
    Wh_w = _xavier(ks[2], (DK, 1))
    Wh_b = jnp.zeros((DK,), dtype=jnp.float32)
    Q_w = _xavier(ks[3], (DK, DK))
    Q_b = jnp.zeros((DK,), dtype=jnp.float32)
    K_w = _xavier(ks[4], (DK, DK))
    K_b = jnp.zeros((DK,), dtype=jnp.float32)
    a_gene_cc = _xavier(ks[5], (DK, NB))
    W_cell_cc = _xavier(ks[6], (2 * F, EMB))
    a_cell_cc = _xavier(ks[7], (2 * EMB, 1))
    return {
        'h': h, 'kadj': kadj,
        'Wh_w': Wh_w, 'Wh_b': Wh_b,
        'Q_w': Q_w, 'Q_b': Q_b,
        'K_w': K_w, 'K_b': K_b,
        'a_gene_cc': a_gene_cc, 'W_cell_cc': W_cell_cc, 'a_cell_cc': a_cell_cc,
    }


def reference(h, kadj, Wh_w, Wh_b, Q_w, Q_b, K_w, K_b, a_gene_cc, W_cell_cc, a_cell_cc):
    # Wh = relu(Linear(1, dk)(h.unsqueeze(-1)))  -> [N, F, DK]
    Wh = jax.nn.relu(jnp.matmul(h[:, :, None], Wh_w.T) + Wh_b)
    # --- cal_attention_re (dropout is no-op: eval mode / p=0) ---
    Q = jnp.matmul(Wh, Q_w.T) + Q_b          # [N, F, DK]
    Kr = jnp.matmul(Wh, K_w.T) + K_b         # [N, F, DK]
    att_re = jax.nn.softmax(jnp.matmul(Q, jnp.swapaxes(Kr, 1, 2)) / SCALE, axis=-1)  # [N, F, F]
    h_re = jnp.matmul(att_re, h[:, :, None])[..., 0] + h
    # --- cal_attention_cc ---
    hk = h[kadj]                              # gather [N, NB, F]
    K_cc = jnp.matmul(a_gene_cc, hk)          # [N, DK, F]
    att_cc = jax.nn.softmax(jnp.matmul(Q, K_cc) / SCALE, axis=-1)  # [N, F, F]
    h_cc = jnp.matmul(att_cc, h[:, :, None])[..., 0] + h
    h_all = jnp.concatenate([h_re, h_cc], axis=-1)  # [N, 2F]
    # --- cal_attention_cell ---
    Wh_cc = jnp.matmul(h_all, W_cell_cc)      # [N, EMB]
    Wh1 = jnp.matmul(Wh_cc, a_cell_cc[:EMB])  # [N, 1]
    Wh2 = jnp.matmul(Wh_cc, a_cell_cc[EMB:])  # [N, 1]
    att_cell = Wh1[kadj][..., 0] + Wh2        # [N, NB] (broadcast = expand)
    att_cell = jax.nn.leaky_relu(att_cell, negative_slope=ALPHA)
    att_cell = jax.nn.softmax(att_cell, axis=-1)
    h_all = jnp.matmul(att_cell[:, None, :], h_all[kadj])[:, 0, :] + h_all
    return jax.nn.elu(h_all)

if __name__ == "__main__":
    import jax
    _d = setup_inputs()
    print(jax.jit(kernel)(*tuple(_d.values())))

</pallas_src>

<mosaic_0001>
#map = affine_map<(d0, d1) -> (0, 0)>
#map1 = affine_map<(d0, d1) -> (0)>
module attributes {stable_mosaic.version = 14 : i64} {
  func.func @_gather_kernel(%arg0: i32, %arg1: i32, %arg2: memref<20000x32xf32, #tpu.memory_space<hbm>>, %arg3: memref<640000xi32, #tpu.memory_space<hbm>>, %arg4: memref<640000x32xf32, #tpu.memory_space<hbm>>, %arg5: memref<1000xi32, #tpu.memory_space<vmem>>, %arg6: memref<1000xi32, #tpu.memory_space<vmem>>, %arg7: memref<1000x32xf32, #tpu.memory_space<vmem>>, %arg8: memref<1000x32xf32, #tpu.memory_space<vmem>>, %arg9: memref<!tpu.dma_semaphore, #tpu.memory_space<semaphore_mem>>, %arg10: memref<!tpu.dma_semaphore, #tpu.memory_space<semaphore_mem>>, %arg11: memref<!tpu.dma_semaphore, #tpu.memory_space<semaphore_mem>>, %arg12: memref<!tpu.dma_semaphore, #tpu.memory_space<semaphore_mem>>) attributes {dimension_semantics = [#tpu.dimension_semantics<core_parallel>, #tpu.dimension_semantics<subcore_parallel>], iteration_bounds = array<i64: 2, 16>, scalar_prefetch = 0 : i64, scratch_operands = 8 : i64, tpu.core_type = #tpu.core_type<sc_vector_subcore>, window_params = [{transform_indices = #map}, {transform_indices = #map1}, {transform_indices = #map}]} {
    %mul3A = arith.constant 2 : i32
    %mul3A_0 = arith.muli %arg1, %mul3A : i32
    %add3A = arith.addi %mul3A_0, %arg0 : i32
    %mul3A_1 = arith.constant 20000 : i32
    %mul3A_2 = arith.muli %add3A, %mul3A_1 : i32
    %scan3A = arith.constant 0 : i32
    %scan3A_3 = arith.constant 10 : i32
    %scan3A_4 = arith.addi %scan3A, %scan3A_3 : i32
    %scan3A_5 = arith.constant 1 : i32
    scf.for %scan3A_7 = %scan3A to %scan3A_4 step %scan3A_5  : i32 {
      %mul3A_8 = arith.constant 2000 : i32
      %mul3A_9 = arith.muli %scan3A_7, %mul3A_8 : i32
      %add3A_10 = arith.constant 0 : i32
      %add3A_11 = arith.addi %add3A_10, %mul3A_9 : i32
      %add3A_12 = arith.addi %mul3A_2, %add3A_11 : i32
      "tpu.region"() ({
        %run_scoped3A = tpu.sem_alloc : memref<!tpu.dma_semaphore, #tpu.memory_space<semaphore_mem>>
        %dma_start3A_46 = tpu.memref_slice %arg3[%add3A_12] : memref<640000xi32, #tpu.memory_space<hbm>> -> memref<1000xi32, #tpu.memory_space<hbm>>
        %dma_start3A_47 = tpu.memref_slice %arg3[%add3A_12] : memref<640000xi32, #tpu.memory_space<hbm>> -> memref<1000xi32, #tpu.memory_space<hbm>>
        tpu.enqueue_dma source(%dma_start3A_47 : memref<1000xi32, #tpu.memory_space<hbm>>) target(%arg5 : memref<1000xi32, #tpu.memory_space<vmem>>) target_semaphore(%run_scoped3A : memref<!tpu.dma_semaphore, #tpu.memory_space<semaphore_mem>>)
        %dma_wait3A_48 = tpu.memref_slice %arg3[%add3A_12] : memref<640000xi32, #tpu.memory_space<hbm>> -> memref<1000xi32, #tpu.memory_space<hbm>>
        %dma_wait3A_49 = tpu.memref_slice %arg3[%add3A_12] : memref<640000xi32, #tpu.memory_space<hbm>> -> memref<1000xi32, #tpu.memory_space<hbm>>
        tpu.wait_dma2 semaphore(%run_scoped3A : memref<!tpu.dma_semaphore, #tpu.memory_space<semaphore_mem>>) src(%dma_wait3A_49 : memref<1000xi32, #tpu.memory_space<hbm>>) dst(%arg5 : memref<1000xi32, #tpu.memory_space<vmem>>)
        tpu.yield
      }) : () -> ()
      %dma_start3A = arith.constant 0 : i32
      %dma_start3A_13 = arith.constant 0 : i32
      %dma_start3A_14 = tpu.memref_slice %arg2[%dma_start3A, %dma_start3A_13] : memref<20000x32xf32, #tpu.memory_space<hbm>> -> memref<20000x32xf32, #tpu.memory_space<hbm>>
      tpu.enqueue_indirect_dma source(%dma_start3A_14 : memref<20000x32xf32, #tpu.memory_space<hbm>>) target(%arg7 : memref<1000x32xf32, #tpu.memory_space<vmem>>) offsets(%arg5 : memref<1000xi32, #tpu.memory_space<vmem>>) semaphore(%arg9 : memref<!tpu.dma_semaphore, #tpu.memory_space<semaphore_mem>>)
      %add3A_15 = arith.addi %mul3A_2, %add3A_11 : i32
      %add3A_16 = arith.constant 1000 : i32
      %add3A_17 = arith.addi %add3A_15, %add3A_16 : i32
      "tpu.region"() ({
        %run_scoped3A = tpu.sem_alloc : memref<!tpu.dma_semaphore, #tpu.memory_space<semaphore_mem>>
        %dma_start3A_46 = tpu.memref_slice %arg3[%add3A_17] : memref<640000xi32, #tpu.memory_space<hbm>> -> memref<1000xi32, #tpu.memory_space<hbm>>
        %dma_start3A_47 = tpu.memref_slice %arg3[%add3A_17] : memref<640000xi32, #tpu.memory_space<hbm>> -> memref<1000xi32, #tpu.memory_space<hbm>>
        tpu.enqueue_dma source(%dma_start3A_47 : memref<1000xi32, #tpu.memory_space<hbm>>) target(%arg6 : memref<1000xi32, #tpu.memory_space<vmem>>) target_semaphore(%run_scoped3A : memref<!tpu.dma_semaphore, #tpu.memory_space<semaphore_mem>>)
        %dma_wait3A_48 = tpu.memref_slice %arg3[%add3A_17] : memref<640000xi32, #tpu.memory_space<hbm>> -> memref<1000xi32, #tpu.memory_space<hbm>>
        %dma_wait3A_49 = tpu.memref_slice %arg3[%add3A_17] : memref<640000xi32, #tpu.memory_space<hbm>> -> memref<1000xi32, #tpu.memory_space<hbm>>
        tpu.wait_dma2 semaphore(%run_scoped3A : memref<!tpu.dma_semaphore, #tpu.memory_space<semaphore_mem>>) src(%dma_wait3A_49 : memref<1000xi32, #tpu.memory_space<hbm>>) dst(%arg6 : memref<1000xi32, #tpu.memory_space<vmem>>)
        tpu.yield
      }) : () -> ()
      %dma_start3A_18 = arith.constant 0 : i32
      %dma_start3A_19 = arith.constant 0 : i32
      %dma_start3A_20 = tpu.memref_slice %arg2[%dma_start3A_18, %dma_start3A_19] : memref<20000x32xf32, #tpu.memory_space<hbm>> -> memref<20000x32xf32, #tpu.memory_space<hbm>>
      tpu.enqueue_indirect_dma source(%dma_start3A_20 : memref<20000x32xf32, #tpu.memory_space<hbm>>) target(%arg8 : memref<1000x32xf32, #tpu.memory_space<vmem>>) offsets(%arg6 : memref<1000xi32, #tpu.memory_space<vmem>>) semaphore(%arg10 : memref<!tpu.dma_semaphore, #tpu.memory_space<semaphore_mem>>)
      %dma_wait3A = arith.constant 0 : i32
      %dma_wait3A_21 = arith.constant 0 : i32
      %dma_wait3A_22 = tpu.memref_slice %arg2[%dma_wait3A, %dma_wait3A_21] : memref<20000x32xf32, #tpu.memory_space<hbm>> -> memref<20000x32xf32, #tpu.memory_space<hbm>>
      tpu.wait_indirect_dma semaphore(%arg9 : memref<!tpu.dma_semaphore, #tpu.memory_space<semaphore_mem>>) src(%dma_wait3A_22 : memref<20000x32xf32, #tpu.memory_space<hbm>>) dst(%arg7 : memref<1000x32xf32, #tpu.memory_space<vmem>>)
      %add3A_23 = arith.addi %mul3A_2, %add3A_11 : i32
      %dma_start3A_24 = arith.constant 0 : i32
      %dma_start3A_25 = tpu.memref_slice %arg4[%add3A_23, %dma_start3A_24] : memref<640000x32xf32, #tpu.memory_space<hbm>> -> memref<1000x32xf32, #tpu.memory_space<hbm>>
      %dma_start3A_26 = arith.constant 0 : i32
      %dma_start3A_27 = tpu.memref_slice %arg4[%add3A_23, %dma_start3A_26] : memref<640000x32xf32, #tpu.memory_space<hbm>> -> memref<1000x32xf32, #tpu.memory_space<hbm>>
      tpu.enqueue_dma source(%arg7 : memref<1000x32xf32, #tpu.memory_space<vmem>>) target(%dma_start3A_27 : memref<1000x32xf32, #tpu.memory_space<hbm>>) target_semaphore(%arg11 : memref<!tpu.dma_semaphore, #tpu.memory_space<semaphore_mem>>)
      %dma_wait3A_28 = arith.constant 0 : i32
      %dma_wait3A_29 = arith.constant 0 : i32
      %dma_wait3A_30 = tpu.memref_slice %arg2[%dma_wait3A_28, %dma_wait3A_29] : memref<20000x32xf32, #tpu.memory_space<hbm>> -> memref<20000x32xf32, #tpu.memory_space<hbm>>
      tpu.wait_indirect_dma semaphore(%arg10 : memref<!tpu.dma_semaphore, #tpu.memory_space<semaphore_mem>>) src(%dma_wait3A_30 : memref<20000x32xf32, #tpu.memory_space<hbm>>) dst(%arg8 : memref<1000x32xf32, #tpu.memory_space<vmem>>)
      %add3A_31 = arith.addi %mul3A_2, %add3A_11 : i32
      %add3A_32 = arith.constant 1000 : i32
      %add3A_33 = arith.addi %add3A_31, %add3A_32 : i32
      %dma_start3A_34 = arith.constant 0 : i32
      %dma_start3A_35 = tpu.memref_slice %arg4[%add3A_33, %dma_start3A_34] : memref<640000x32xf32, #tpu.memory_space<hbm>> -> memref<1000x32xf32, #tpu.memory_space<hbm>>
      %dma_start3A_36 = arith.constant 0 : i32
      %dma_start3A_37 = tpu.memref_slice %arg4[%add3A_33, %dma_start3A_36] : memref<640000x32xf32, #tpu.memory_space<hbm>> -> memref<1000x32xf32, #tpu.memory_space<hbm>>
      tpu.enqueue_dma source(%arg8 : memref<1000x32xf32, #tpu.memory_space<vmem>>) target(%dma_start3A_37 : memref<1000x32xf32, #tpu.memory_space<hbm>>) target_semaphore(%arg12 : memref<!tpu.dma_semaphore, #tpu.memory_space<semaphore_mem>>)
      %dma_wait3A_38 = arith.constant 0 : i32
      %dma_wait3A_39 = tpu.memref_slice %arg4[%add3A_23, %dma_wait3A_38] : memref<640000x32xf32, #tpu.memory_space<hbm>> -> memref<1000x32xf32, #tpu.memory_space<hbm>>
      %dma_wait3A_40 = arith.constant 0 : i32
      %dma_wait3A_41 = tpu.memref_slice %arg4[%add3A_23, %dma_wait3A_40] : memref<640000x32xf32, #tpu.memory_space<hbm>> -> memref<1000x32xf32, #tpu.memory_space<hbm>>
      tpu.wait_dma2 semaphore(%arg11 : memref<!tpu.dma_semaphore, #tpu.memory_space<semaphore_mem>>) src(%arg7 : memref<1000x32xf32, #tpu.memory_space<vmem>>) dst(%dma_wait3A_41 : memref<1000x32xf32, #tpu.memory_space<hbm>>)
      %dma_wait3A_42 = arith.constant 0 : i32
      %dma_wait3A_43 = tpu.memref_slice %arg4[%add3A_33, %dma_wait3A_42] : memref<640000x32xf32, #tpu.memory_space<hbm>> -> memref<1000x32xf32, #tpu.memory_space<hbm>>
      %dma_wait3A_44 = arith.constant 0 : i32
      %dma_wait3A_45 = tpu.memref_slice %arg4[%add3A_33, %dma_wait3A_44] : memref<640000x32xf32, #tpu.memory_space<hbm>> -> memref<1000x32xf32, #tpu.memory_space<hbm>>
      tpu.wait_dma2 semaphore(%arg12 : memref<!tpu.dma_semaphore, #tpu.memory_space<semaphore_mem>>) src(%arg8 : memref<1000x32xf32, #tpu.memory_space<vmem>>) dst(%dma_wait3A_45 : memref<1000x32xf32, #tpu.memory_space<hbm>>)
    }
    %scan3A_6 = arith.constant 10 : i32
    return
  }
}

#map = affine_map<(d0, d1) -> (0, 0)>
#map1 = affine_map<(d0, d1) -> (0)>
module attributes {stable_mosaic.version = 14 : i64} {
  func.func @_gather_kernel(%arg0: i32, %arg1: i32, %arg2: memref<20000x80xf32, #tpu.memory_space<hbm>>, %arg3: memref<640000xi32, #tpu.memory_space<hbm>>, %arg4: memref<640000x80xf32, #tpu.memory_space<hbm>>, %arg5: memref<400xi32, #tpu.memory_space<vmem>>, %arg6: memref<400xi32, #tpu.memory_space<vmem>>, %arg7: memref<400x80xf32, #tpu.memory_space<vmem>>, %arg8: memref<400x80xf32, #tpu.memory_space<vmem>>, %arg9: memref<!tpu.dma_semaphore, #tpu.memory_space<semaphore_mem>>, %arg10: memref<!tpu.dma_semaphore, #tpu.memory_space<semaphore_mem>>, %arg11: memref<!tpu.dma_semaphore, #tpu.memory_space<semaphore_mem>>, %arg12: memref<!tpu.dma_semaphore, #tpu.memory_space<semaphore_mem>>) attributes {dimension_semantics = [#tpu.dimension_semantics<core_parallel>, #tpu.dimension_semantics<subcore_parallel>], iteration_bounds = array<i64: 2, 16>, scalar_prefetch = 0 : i64, scratch_operands = 8 : i64, tpu.core_type = #tpu.core_type<sc_vector_subcore>, window_params = [{transform_indices = #map}, {transform_indices = #map1}, {transform_indices = #map}]} {
    %mul3A = arith.constant 2 : i32
    %mul3A_0 = arith.muli %arg1, %mul3A : i32
    %add3A = arith.addi %mul3A_0, %arg0 : i32
    %mul3A_1 = arith.constant 20000 : i32
    %mul3A_2 = arith.muli %add3A, %mul3A_1 : i32
    %scan3A = arith.constant 0 : i32
    %scan3A_3 = arith.constant 25 : i32
    %scan3A_4 = arith.addi %scan3A, %scan3A_3 : i32
    %scan3A_5 = arith.constant 1 : i32
    scf.for %scan3A_7 = %scan3A to %scan3A_4 step %scan3A_5  : i32 {
      %mul3A_8 = arith.constant 800 : i32
      %mul3A_9 = arith.muli %scan3A_7, %mul3A_8 : i32
      %add3A_10 = arith.constant 0 : i32
      %add3A_11 = arith.addi %add3A_10, %mul3A_9 : i32
      %add3A_12 = arith.addi %mul3A_2, %add3A_11 : i32
      "tpu.region"() ({
        %run_scoped3A = tpu.sem_alloc : memref<!tpu.dma_semaphore, #tpu.memory_space<semaphore_mem>>
        %dma_start3A_46 = tpu.memref_slice %arg3[%add3A_12] : memref<640000xi32, #tpu.memory_space<hbm>> -> memref<400xi32, #tpu.memory_space<hbm>>
        %dma_start3A_47 = tpu.memref_slice %arg3[%add3A_12] : memref<640000xi32, #tpu.memory_space<hbm>> -> memref<400xi32, #tpu.memory_space<hbm>>
        tpu.enqueue_dma source(%dma_start3A_47 : memref<400xi32, #tpu.memory_space<hbm>>) target(%arg5 : memref<400xi32, #tpu.memory_space<vmem>>) target_semaphore(%run_scoped3A : memref<!tpu.dma_semaphore, #tpu.memory_space<semaphore_mem>>)
        %dma_wait3A_48 = tpu.memref_slice %arg3[%add3A_12] : memref<640000xi32, #tpu.memory_space<hbm>> -> memref<400xi32, #tpu.memory_space<hbm>>
        %dma_wait3A_49 = tpu.memref_slice %arg3[%add3A_12] : memref<640000xi32, #tpu.memory_space<hbm>> -> memref<400xi32, #tpu.memory_space<hbm>>
        tpu.wait_dma2 semaphore(%run_scoped3A : memref<!tpu.dma_semaphore, #tpu.memory_space<semaphore_mem>>) src(%dma_wait3A_49 : memref<400xi32, #tpu.memory_space<hbm>>) dst(%arg5 : memref<400xi32, #tpu.memory_space<vmem>>)
        tpu.yield
      }) : () -> ()
      %dma_start3A = arith.constant 0 : i32
      %dma_start3A_13 = arith.constant 0 : i32
      %dma_start3A_14 = tpu.memref_slice %arg2[%dma_start3A, %dma_start3A_13] : memref<20000x80xf32, #tpu.memory_space<hbm>> -> memref<20000x80xf32, #tpu.memory_space<hbm>>
      tpu.enqueue_indirect_dma source(%dma_start3A_14 : memref<20000x80xf32, #tpu.memory_space<hbm>>) target(%arg7 : memref<400x80xf32, #tpu.memory_space<vmem>>) offsets(%arg5 : memref<400xi32, #tpu.memory_space<vmem>>) semaphore(%arg9 : memref<!tpu.dma_semaphore, #tpu.memory_space<semaphore_mem>>)
      %add3A_15 = arith.addi %mul3A_2, %add3A_11 : i32
      %add3A_16 = arith.constant 400 : i32
      %add3A_17 = arith.addi %add3A_15, %add3A_16 : i32
      "tpu.region"() ({
        %run_scoped3A = tpu.sem_alloc : memref<!tpu.dma_semaphore, #tpu.memory_space<semaphore_mem>>
        %dma_start3A_46 = tpu.memref_slice %arg3[%add3A_17] : memref<640000xi32, #tpu.memory_space<hbm>> -> memref<400xi32, #tpu.memory_space<hbm>>
        %dma_start3A_47 = tpu.memref_slice %arg3[%add3A_17] : memref<640000xi32, #tpu.memory_space<hbm>> -> memref<400xi32, #tpu.memory_space<hbm>>
        tpu.enqueue_dma source(%dma_start3A_47 : memref<400xi32, #tpu.memory_space<hbm>>) target(%arg6 : memref<400xi32, #tpu.memory_space<vmem>>) target_semaphore(%run_scoped3A : memref<!tpu.dma_semaphore, #tpu.memory_space<semaphore_mem>>)
        %dma_wait3A_48 = tpu.memref_slice %arg3[%add3A_17] : memref<640000xi32, #tpu.memory_space<hbm>> -> memref<400xi32, #tpu.memory_space<hbm>>
        %dma_wait3A_49 = tpu.memref_slice %arg3[%add3A_17] : memref<640000xi32, #tpu.memory_space<hbm>> -> memref<400xi32, #tpu.memory_space<hbm>>
        tpu.wait_dma2 semaphore(%run_scoped3A : memref<!tpu.dma_semaphore, #tpu.memory_space<semaphore_mem>>) src(%dma_wait3A_49 : memref<400xi32, #tpu.memory_space<hbm>>) dst(%arg6 : memref<400xi32, #tpu.memory_space<vmem>>)
        tpu.yield
      }) : () -> ()
      %dma_start3A_18 = arith.constant 0 : i32
      %dma_start3A_19 = arith.constant 0 : i32
      %dma_start3A_20 = tpu.memref_slice %arg2[%dma_start3A_18, %dma_start3A_19] : memref<20000x80xf32, #tpu.memory_space<hbm>> -> memref<20000x80xf32, #tpu.memory_space<hbm>>
      tpu.enqueue_indirect_dma source(%dma_start3A_20 : memref<20000x80xf32, #tpu.memory_space<hbm>>) target(%arg8 : memref<400x80xf32, #tpu.memory_space<vmem>>) offsets(%arg6 : memref<400xi32, #tpu.memory_space<vmem>>) semaphore(%arg10 : memref<!tpu.dma_semaphore, #tpu.memory_space<semaphore_mem>>)
      %dma_wait3A = arith.constant 0 : i32
      %dma_wait3A_21 = arith.constant 0 : i32
      %dma_wait3A_22 = tpu.memref_slice %arg2[%dma_wait3A, %dma_wait3A_21] : memref<20000x80xf32, #tpu.memory_space<hbm>> -> memref<20000x80xf32, #tpu.memory_space<hbm>>
      tpu.wait_indirect_dma semaphore(%arg9 : memref<!tpu.dma_semaphore, #tpu.memory_space<semaphore_mem>>) src(%dma_wait3A_22 : memref<20000x80xf32, #tpu.memory_space<hbm>>) dst(%arg7 : memref<400x80xf32, #tpu.memory_space<vmem>>)
      %add3A_23 = arith.addi %mul3A_2, %add3A_11 : i32
      %dma_start3A_24 = arith.constant 0 : i32
      %dma_start3A_25 = tpu.memref_slice %arg4[%add3A_23, %dma_start3A_24] : memref<640000x80xf32, #tpu.memory_space<hbm>> -> memref<400x80xf32, #tpu.memory_space<hbm>>
      %dma_start3A_26 = arith.constant 0 : i32
      %dma_start3A_27 = tpu.memref_slice %arg4[%add3A_23, %dma_start3A_26] : memref<640000x80xf32, #tpu.memory_space<hbm>> -> memref<400x80xf32, #tpu.memory_space<hbm>>
      tpu.enqueue_dma source(%arg7 : memref<400x80xf32, #tpu.memory_space<vmem>>) target(%dma_start3A_27 : memref<400x80xf32, #tpu.memory_space<hbm>>) target_semaphore(%arg11 : memref<!tpu.dma_semaphore, #tpu.memory_space<semaphore_mem>>)
      %dma_wait3A_28 = arith.constant 0 : i32
      %dma_wait3A_29 = arith.constant 0 : i32
      %dma_wait3A_30 = tpu.memref_slice %arg2[%dma_wait3A_28, %dma_wait3A_29] : memref<20000x80xf32, #tpu.memory_space<hbm>> -> memref<20000x80xf32, #tpu.memory_space<hbm>>
      tpu.wait_indirect_dma semaphore(%arg10 : memref<!tpu.dma_semaphore, #tpu.memory_space<semaphore_mem>>) src(%dma_wait3A_30 : memref<20000x80xf32, #tpu.memory_space<hbm>>) dst(%arg8 : memref<400x80xf32, #tpu.memory_space<vmem>>)
      %add3A_31 = arith.addi %mul3A_2, %add3A_11 : i32
      %add3A_32 = arith.constant 400 : i32
      %add3A_33 = arith.addi %add3A_31, %add3A_32 : i32
      %dma_start3A_34 = arith.constant 0 : i32
      %dma_start3A_35 = tpu.memref_slice %arg4[%add3A_33, %dma_start3A_34] : memref<640000x80xf32, #tpu.memory_space<hbm>> -> memref<400x80xf32, #tpu.memory_space<hbm>>
      %dma_start3A_36 = arith.constant 0 : i32
      %dma_start3A_37 = tpu.memref_slice %arg4[%add3A_33, %dma_start3A_36] : memref<640000x80xf32, #tpu.memory_space<hbm>> -> memref<400x80xf32, #tpu.memory_space<hbm>>
      tpu.enqueue_dma source(%arg8 : memref<400x80xf32, #tpu.memory_space<vmem>>) target(%dma_start3A_37 : memref<400x80xf32, #tpu.memory_space<hbm>>) target_semaphore(%arg12 : memref<!tpu.dma_semaphore, #tpu.memory_space<semaphore_mem>>)
      %dma_wait3A_38 = arith.constant 0 : i32
      %dma_wait3A_39 = tpu.memref_slice %arg4[%add3A_23, %dma_wait3A_38] : memref<640000x80xf32, #tpu.memory_space<hbm>> -> memref<400x80xf32, #tpu.memory_space<hbm>>
      %dma_wait3A_40 = arith.constant 0 : i32
      %dma_wait3A_41 = tpu.memref_slice %arg4[%add3A_23, %dma_wait3A_40] : memref<640000x80xf32, #tpu.memory_space<hbm>> -> memref<400x80xf32, #tpu.memory_space<hbm>>
      tpu.wait_dma2 semaphore(%arg11 : memref<!tpu.dma_semaphore, #tpu.memory_space<semaphore_mem>>) src(%arg7 : memref<400x80xf32, #tpu.memory_space<vmem>>) dst(%dma_wait3A_41 : memref<400x80xf32, #tpu.memory_space<hbm>>)
      %dma_wait3A_42 = arith.constant 0 : i32
      %dma_wait3A_43 = tpu.memref_slice %arg4[%add3A_33, %dma_wait3A_42] : memref<640000x80xf32, #tpu.memory_space<hbm>> -> memref<400x80xf32, #tpu.memory_space<hbm>>
      %dma_wait3A_44 = arith.constant 0 : i32
      %dma_wait3A_45 = tpu.memref_slice %arg4[%add3A_33, %dma_wait3A_44] : memref<640000x80xf32, #tpu.memory_space<hbm>> -> memref<400x80xf32, #tpu.memory_space<hbm>>
      tpu.wait_dma2 semaphore(%arg12 : memref<!tpu.dma_semaphore, #tpu.memory_space<semaphore_mem>>) src(%arg8 : memref<400x80xf32, #tpu.memory_space<vmem>>) dst(%dma_wait3A_45 : memref<400x80xf32, #tpu.memory_space<hbm>>)
    }
    %scan3A_6 = arith.constant 25 : i32
    return
  }
}

module attributes {stable_mosaic.version = 14 : i64} {
  func.func @_perm_idx_body(%arg0: i32, %arg1: memref<5000x128xi32, #tpu.memory_space<vmem>>, %arg2: memref<128x128xf32, #tpu.memory_space<vmem>>, %arg3: memref<5000x128xi32, #tpu.memory_space<vmem>>) attributes {dimension_semantics = [#tpu.dimension_semantics<arbitrary>], iteration_bounds = array<i64: 1>, scalar_prefetch = 0 : i64, scratch_operands = 0 : i64, tpu.core_type = #tpu.core_type<tc>, window_params = [{pipeline_mode = #tpu.pipeline_mode<synchronous>, transform_indices = @transform_0, window_bounds = array<i64: 5000, 128>}, {pipeline_mode = #tpu.pipeline_mode<synchronous>, transform_indices = @transform_1, window_bounds = array<i64: 128, 128>}, {pipeline_mode = #tpu.pipeline_mode<synchronous>, transform_indices = @transform_2, window_bounds = array<i64: 5000, 128>}]} {
    %get3A = arith.constant 0 : index
    %get3A_0 = arith.constant 0 : index
    %get3A_1 = vector.load %arg1[%get3A, %get3A_0] : memref<5000x128xi32, #tpu.memory_space<vmem>>, vector<5000x128xi32>
    %and3A = arith.constant 255 : i32
    %and3A_2 = vector.broadcast %and3A : i32 to vector<5000x128xi32>
    %and3A_3 = arith.andi %get3A_1, %and3A_2 : vector<5000x128xi32>
    %convert_element_type3A = arith.sitofp %and3A_3 : vector<5000x128xi32> to vector<5000x128xf32>
    %shift_right_arithmetic3A = arith.constant 8 : i32
    %shift_right_arithmetic3A_4 = vector.broadcast %shift_right_arithmetic3A : i32 to vector<5000x128xi32>
    %shift_right_arithmetic3A_5 = arith.shrsi %get3A_1, %shift_right_arithmetic3A_4 : vector<5000x128xi32>
    %convert_element_type3A_6 = arith.sitofp %shift_right_arithmetic3A_5 : vector<5000x128xi32> to vector<5000x128xf32>
    %get3A_7 = arith.constant 0 : index
    %get3A_8 = arith.constant 0 : index
    %get3A_9 = vector.load %arg2[%get3A_7, %get3A_8] : memref<128x128xf32, #tpu.memory_space<vmem>>, vector<128x128xf32>
    %dot_general3A = arith.constant dense<0.000000e+00> : vector<5000x128xf32>
    %dot_general3A_10 = tpu.matmul %convert_element_type3A, %get3A_9, %dot_general3A {dimension_numbers = #tpu.dot_dimension_numbers<[1], [0], [0], [1], [0, 0, 1, 1], [], []>, transpose_lhs_hint = false} : vector<5000x128xf32>, vector<128x128xf32>, vector<5000x128xf32> -> vector<5000x128xf32>
    %dot_general3A_11 = arith.constant dense<0.000000e+00> : vector<5000x128xf32>
    %dot_general3A_12 = tpu.matmul %convert_element_type3A_6, %get3A_9, %dot_general3A_11 {dimension_numbers = #tpu.dot_dimension_numbers<[1], [0], [0], [1], [0, 0, 1, 1], [], []>, transpose_lhs_hint = false} : vector<5000x128xf32>, vector<128x128xf32>, vector<5000x128xf32> -> vector<5000x128xf32>
    %add3A = arith.constant 5.000000e-01 : f32
    %add3A_13 = vector.broadcast %add3A : f32 to vector<5000x128xf32>
    %add3A_14 = arith.addf %dot_general3A_12, %add3A_13 : vector<5000x128xf32>
    %convert_element_type3A_15 = arith.fptosi %add3A_14 : vector<5000x128xf32> to vector<5000x128xi32>
    %mul3A = arith.constant 256 : i32
    %mul3A_16 = vector.broadcast %mul3A : i32 to vector<5000x128xi32>
    %mul3A_17 = arith.muli %convert_element_type3A_15, %mul3A_16 : vector<5000x128xi32>
    %add3A_18 = arith.constant 5.000000e-01 : f32
    %add3A_19 = vector.broadcast %add3A_18 : f32 to vector<5000x128xf32>
    %add3A_20 = arith.addf %dot_general3A_10, %add3A_19 : vector<5000x128xf32>
    %convert_element_type3A_21 = arith.fptosi %add3A_20 : vector<5000x128xf32> to vector<5000x128xi32>
    %add3A_22 = arith.addi %mul3A_17, %convert_element_type3A_21 : vector<5000x128xi32>
    %swap3A = arith.constant 0 : index
    %swap3A_23 = arith.constant 0 : index
    %swap3A_24 = vector.load %arg3[%swap3A, %swap3A_23] : memref<5000x128xi32, #tpu.memory_space<vmem>>, vector<5000x128xi32>
    tpu.vector_store %arg3[%swap3A, %swap3A_23], %add3A_22 {strides = array<i32>} : memref<5000x128xi32, #tpu.memory_space<vmem>>, vector<5000x128xi32>,
    return
  }
  func.func @transform_0(%arg0: i32) -> (i32, i32) {
    %c0_i32 = arith.constant 0 : i32
    %c0_i32_0 = arith.constant 0 : i32
    %c0_i32_1 = arith.constant 0 : i32
    return %c0_i32, %c0_i32_0 : i32, i32
  }
  func.func @transform_1(%arg0: i32) -> (i32, i32) {
    %c0_i32 = arith.constant 0 : i32
    %c0_i32_0 = arith.constant 0 : i32
    %c0_i32_1 = arith.constant 0 : i32
    return %c0_i32, %c0_i32_0 : i32, i32
  }
  func.func @transform_2(%arg0: i32) -> (i32, i32) {
    %c0_i32 = arith.constant 0 : i32
    %c0_i32_0 = arith.constant 0 : i32
    %c0_i32_1 = arith.constant 0 : i32
    return %c0_i32, %c0_i32_0 : i32, i32
  }
}

module attributes {stable_mosaic.version = 14 : i64} {
  func.func @_dense1_body(%arg0: i32, %arg1: memref<160x32xf32, #tpu.memory_space<vmem>>, %arg2: memref<40x128xf32, #tpu.memory_space<vmem>>, %arg3: memref<1280x128xf32, #tpu.memory_space<vmem>>, %arg4: memref<1x16xf32, #tpu.memory_space<vmem>>, %arg5: memref<1x16xf32, #tpu.memory_space<vmem>>, %arg6: memref<16x32xf32, #tpu.memory_space<vmem>>, %arg7: memref<1x32xf32, #tpu.memory_space<vmem>>, %arg8: memref<16x32xf32, #tpu.memory_space<vmem>>, %arg9: memref<128x128xf32, #tpu.memory_space<vmem>>, %arg10: memref<128x128xf32, #tpu.memory_space<vmem>>, %arg11: memref<128x128xf32, #tpu.memory_space<vmem>>, %arg12: memref<128x128xf32, #tpu.memory_space<vmem>>, %arg13: memref<40x128xf32, #tpu.memory_space<vmem>>, %arg14: memref<40x128xf32, #tpu.memory_space<vmem>>, %arg15: memref<40x128xf32, #tpu.memory_space<vmem>>) attributes {dimension_semantics = [#tpu.dimension_semantics<arbitrary>], iteration_bounds = array<i64: 125>, scalar_prefetch = 0 : i64, scratch_operands = 0 : i64, tpu.core_type = #tpu.core_type<tc>, window_params = [{transform_indices = @transform_0, window_bounds = array<i64: 160, 32>}, {transform_indices = @transform_1, window_bounds = array<i64: 40, 128>}, {transform_indices = @transform_2, window_bounds = array<i64: 1280, 128>}, {pipeline_mode = #tpu.pipeline_mode<synchronous>, transform_indices = @transform_3, window_bounds = array<i64: 1, 16>}, {pipeline_mode = #tpu.pipeline_mode<synchronous>, transform_indices = @transform_4, window_bounds = array<i64: 1, 16>}, {pipeline_mode = #tpu.pipeline_mode<synchronous>, transform_indices = @transform_5, window_bounds = array<i64: 16, 32>}, {pipeline_mode = #tpu.pipeline_mode<synchronous>, transform_indices = @transform_6, window_bounds = array<i64: 1, 32>}, {pipeline_mode = #tpu.pipeline_mode<synchronous>, transform_indices = @transform_7, window_bounds = array<i64: 16, 32>}, {pipeline_mode = #tpu.pipeline_mode<synchronous>, transform_indices = @transform_8, window_bounds = array<i64: 128, 128>}, {pipeline_mode = #tpu.pipeline_mode<synchronous>, transform_indices = @transform_9, window_bounds = array<i64: 128, 128>}, {pipeline_mode = #tpu.pipeline_mode<synchronous>, transform_indices = @transform_10, window_bounds = array<i64: 128, 128>}, {pipeline_mode = #tpu.pipeline_mode<synchronous>, transform_indices = @transform_11, window_bounds = array<i64: 128, 128>}, {transform_indices = @transform_12, window_bounds = array<i64: 40, 128>}, {transform_indices = @transform_13, window_bounds = array<i64: 40, 128>}, {transform_indices = @transform_14, window_bounds = array<i64: 40, 128>}]} {
    %get3A = arith.constant 0 : index
    %get3A_0 = arith.constant 0 : index
    %get3A_1 = vector.load %arg1[%get3A, %get3A_0] : memref<160x32xf32, #tpu.memory_space<vmem>>, vector<160x32xf32>
    %get3A_2 = arith.constant 0 : index
    %get3A_3 = arith.constant 0 : index
    %get3A_4 = vector.load %arg2[%get3A_2, %get3A_3] : memref<40x128xf32, #tpu.memory_space<vmem>>, vector<40x128xf32>
    %broadcast_in_dim3A = vector.shape_cast %get3A_1 : vector<160x32xf32> to vector<160x32x1xf32>
    %get3A_5 = arith.constant 0 : index
    %get3A_6 = arith.constant 0 : index
    %get3A_7 = vector.load %arg4[%get3A_5, %get3A_6] : memref<1x16xf32, #tpu.memory_space<vmem>>, vector<1x16xf32>
    %get3A_8 = vector.shape_cast %get3A_7 : vector<1x16xf32> to vector<16xf32>
    %broadcast_in_dim3A_9 = vector.shape_cast %get3A_8 : vector<16xf32> to vector<1x1x16xf32>
    %mul3A = vector.broadcast %broadcast_in_dim3A : vector<160x32x1xf32> to vector<160x32x16xf32>
    %mul3A_10 = vector.broadcast %broadcast_in_dim3A_9 : vector<1x1x16xf32> to vector<160x32x16xf32>
    %mul3A_11 = arith.mulf %mul3A, %mul3A_10 : vector<160x32x16xf32>
    %get3A_12 = arith.constant 0 : index
    %get3A_13 = arith.constant 0 : index
    %get3A_14 = vector.load %arg5[%get3A_12, %get3A_13] : memref<1x16xf32, #tpu.memory_space<vmem>>, vector<1x16xf32>
    %get3A_15 = vector.shape_cast %get3A_14 : vector<1x16xf32> to vector<16xf32>
    %broadcast_in_dim3A_16 = vector.shape_cast %get3A_15 : vector<16xf32> to vector<1x1x16xf32>
    %add3A = vector.broadcast %broadcast_in_dim3A_16 : vector<1x1x16xf32> to vector<160x32x16xf32>
    %add3A_17 = arith.addf %mul3A_11, %add3A : vector<160x32x16xf32>
    %max3A = arith.constant 0.000000e+00 : f32
    %max3A_18 = vector.broadcast %max3A : f32 to vector<160x32x16xf32>
    %max3A_19 = arith.maximumf %add3A_17, %max3A_18 : vector<160x32x16xf32>
    %reshape3A = vector.shape_cast %max3A_19 : vector<160x32x16xf32> to vector<5120x16xf32>
    %get3A_20 = arith.constant 0 : index
    %get3A_21 = arith.constant 0 : index
    %get3A_22 = vector.load %arg6[%get3A_20, %get3A_21] : memref<16x32xf32, #tpu.memory_space<vmem>>, vector<16x32xf32>
    %dot_general3A = arith.constant dense<0.000000e+00> : vector<5120x32xf32>
    %dot_general3A_23 = tpu.matmul %reshape3A, %get3A_22, %dot_general3A {dimension_numbers = #tpu.dot_dimension_numbers<[1], [0], [0], [1], [0, 0, 1, 1], [], []>, transpose_lhs_hint = false} : vector<5120x16xf32>, vector<16x32xf32>, vector<5120x32xf32> -> vector<5120x32xf32>
    %get3A_24 = arith.constant 0 : index
    %get3A_25 = arith.constant 0 : index
    %get3A_26 = vector.load %arg7[%get3A_24, %get3A_25] : memref<1x32xf32, #tpu.memory_space<vmem>>, vector<1x32xf32>
    %add3A_27 = vector.broadcast %get3A_26 : vector<1x32xf32> to vector<5120x32xf32>
    %add3A_28 = arith.addf %dot_general3A_23, %add3A_27 : vector<5120x32xf32>
    %slice3A = vector.extract_strided_slice %add3A_28 {offsets = [0, 0], sizes = [5120, 16], strides = [1, 1]} : vector<5120x32xf32> to vector<5120x16xf32>
    %reshape3A_29 = vector.shape_cast %slice3A : vector<5120x16xf32> to vector<40x128x16xf32>
    %slice3A_30 = vector.extract_strided_slice %add3A_28 {offsets = [0, 16], sizes = [5120, 16], strides = [1, 1]} : vector<5120x32xf32> to vector<5120x16xf32>
    %reshape3A_31 = vector.shape_cast %slice3A_30 : vector<5120x16xf32> to vector<40x128x16xf32>
    %get3A_32 = arith.constant 0 : index
    %get3A_33 = arith.constant 0 : index
    %get3A_34 = vector.load %arg12[%get3A_32, %get3A_33] : memref<128x128xf32, #tpu.memory_space<vmem>>, vector<128x128xf32>
    %broadcast_in_dim3A_35 = arith.constant 1.000000e+00 : f32
    %broadcast_in_dim3A_36 = vector.broadcast %broadcast_in_dim3A_35 : f32 to vector<40x128xf32>
    %stack3A = vector.shape_cast %get3A_4 : vector<40x128xf32> to vector<40x128x1xf32>
    %stack3A_37 = vector.shape_cast %broadcast_in_dim3A_36 : vector<40x128xf32> to vector<40x128x1xf32>
    %stack3A_38 = tpu.concatenate %stack3A, %stack3A_37 in 2 : vector<40x128x1xf32>, vector<40x128x1xf32> -> vector<40x128x2xf32>
    %dot_general3A_39 = arith.constant dense<0.000000e+00> : vector<40x128x128xf32>
    %dot_general3A_40 = tpu.matmul %reshape3A_29, %reshape3A_31, %dot_general3A_39 {dimension_numbers = #tpu.dot_dimension_numbers<[2], [2], [1], [1], [0, 0, 0, 1, 1, 1], [0], [0]>, transpose_lhs_hint = false} : vector<40x128x16xf32>, vector<40x128x16xf32>, vector<40x128x128xf32> -> vector<40x128x128xf32>
    %broadcast_in_dim3A_41 = vector.shape_cast %get3A_34 : vector<128x128xf32> to vector<1x128x128xf32>
    %add3A_42 = vector.broadcast %broadcast_in_dim3A_41 : vector<1x128x128xf32> to vector<40x128x128xf32>
    %add3A_43 = arith.addf %dot_general3A_40, %add3A_42 : vector<40x128x128xf32>
    %reduce_max3A = arith.constant dense<0xFF800000> : vector<40x128xf32>
    %reduce_max3A_44 = vector.multi_reduction <maximumf>, %add3A_43, %reduce_max3A [2] : vector<40x128x128xf32> to vector<40x128xf32>
    %broadcast_in_dim3A_45 = vector.shape_cast %reduce_max3A_44 : vector<40x128xf32> to vector<40x128x1xf32>
    %sub3A = vector.broadcast %broadcast_in_dim3A_45 : vector<40x128x1xf32> to vector<40x128x128xf32>
    %sub3A_46 = arith.subf %add3A_43, %sub3A : vector<40x128x128xf32>
    %exp3A = math.exp %sub3A_46 : vector<40x128x128xf32>
    %dot_general3A_47 = arith.constant dense<0.000000e+00> : vector<40x128x2xf32>
    %dot_general3A_48 = tpu.matmul %exp3A, %stack3A_38, %dot_general3A_47 {dimension_numbers = #tpu.dot_dimension_numbers<[2], [1], [1], [2], [0, 0, 0, 1, 1, 2], [0], [0]>, transpose_lhs_hint = false} : vector<40x128x128xf32>, vector<40x128x2xf32>, vector<40x128x2xf32> -> vector<40x128x2xf32>
    %slice3A_49 = vector.extract_strided_slice %dot_general3A_48 {offsets = [0, 0, 0], sizes = [40, 128, 1], strides = [1, 1, 1]} : vector<40x128x2xf32> to vector<40x128x1xf32>
    %squeeze3A = vector.shape_cast %slice3A_49 : vector<40x128x1xf32> to vector<40x128xf32>
    %slice3A_50 = vector.extract_strided_slice %dot_general3A_48 {offsets = [0, 0, 1], sizes = [40, 128, 1], strides = [1, 1, 1]} : vector<40x128x2xf32> to vector<40x128x1xf32>
    %squeeze3A_51 = vector.shape_cast %slice3A_50 : vector<40x128x1xf32> to vector<40x128xf32>
    %div3A = arith.divf %squeeze3A, %squeeze3A_51 : vector<40x128xf32>
    %add3A_52 = arith.addf %div3A, %get3A_4 : vector<40x128xf32>
    %get3A_53 = arith.constant 0 : index
    %get3A_54 = arith.constant 0 : index
    %get3A_55 = vector.load %arg8[%get3A_53, %get3A_54] : memref<16x32xf32, #tpu.memory_space<vmem>>, vector<16x32xf32>
    %dot_general3A_56 = arith.constant dense<0.000000e+00> : vector<5120x32xf32>
    %dot_general3A_57 = tpu.matmul %slice3A, %get3A_55, %dot_general3A_56 {dimension_numbers = #tpu.dot_dimension_numbers<[1], [0], [0], [1], [0, 0, 1, 1], [], []>, transpose_lhs_hint = false} : vector<5120x16xf32>, vector<16x32xf32>, vector<5120x32xf32> -> vector<5120x32xf32>
    %reshape3A_58 = vector.shape_cast %dot_general3A_57 : vector<5120x32xf32> to vector<40x128x32xf32>
    %get3A_59 = arith.constant 0 : index
    %get3A_60 = arith.constant 0 : index
    %get3A_61 = vector.load %arg3[%get3A_59, %get3A_60] : memref<1280x128xf32, #tpu.memory_space<vmem>>, vector<1280x128xf32>
    %reshape3A_62 = vector.shape_cast %get3A_61 : vector<1280x128xf32> to vector<40x32x128xf32>
    %dot_general3A_63 = arith.constant dense<0.000000e+00> : vector<40x128x128xf32>
    %dot_general3A_64 = tpu.matmul %reshape3A_58, %reshape3A_62, %dot_general3A_63 {dimension_numbers = #tpu.dot_dimension_numbers<[2], [1], [1], [2], [0, 0, 0, 1, 1, 2], [0], [0]>, transpose_lhs_hint = false} : vector<40x128x32xf32>, vector<40x32x128xf32>, vector<40x128x128xf32> -> vector<40x128x128xf32>
    %broadcast_in_dim3A_65 = vector.shape_cast %get3A_34 : vector<128x128xf32> to vector<1x128x128xf32>
    %add3A_66 = vector.broadcast %broadcast_in_dim3A_65 : vector<1x128x128xf32> to vector<40x128x128xf32>
    %add3A_67 = arith.addf %dot_general3A_64, %add3A_66 : vector<40x128x128xf32>
    %reduce_max3A_68 = arith.constant dense<0xFF800000> : vector<40x128xf32>
    %reduce_max3A_69 = vector.multi_reduction <maximumf>, %add3A_67, %reduce_max3A_68 [2] : vector<40x128x128xf32> to vector<40x128xf32>
    %broadcast_in_dim3A_70 = vector.shape_cast %reduce_max3A_69 : vector<40x128xf32> to vector<40x128x1xf32>
    %sub3A_71 = vector.broadcast %broadcast_in_dim3A_70 : vector<40x128x1xf32> to vector<40x128x128xf32>
    %sub3A_72 = arith.subf %add3A_67, %sub3A_71 : vector<40x128x128xf32>
    %exp3A_73 = math.exp %sub3A_72 : vector<40x128x128xf32>
    %dot_general3A_74 = arith.constant dense<0.000000e+00> : vector<40x128x2xf32>
    %dot_general3A_75 = tpu.matmul %exp3A_73, %stack3A_38, %dot_general3A_74 {dimension_numbers = #tpu.dot_dimension_numbers<[2], [1], [1], [2], [0, 0, 0, 1, 1, 2], [0], [0]>, transpose_lhs_hint = false} : vector<40x128x128xf32>, vector<40x128x2xf32>, vector<40x128x2xf32> -> vector<40x128x2xf32>
    %slice3A_76 = vector.extract_strided_slice %dot_general3A_75 {offsets = [0, 0, 0], sizes = [40, 128, 1], strides = [1, 1, 1]} : vector<40x128x2xf32> to vector<40x128x1xf32>
    %squeeze3A_77 = vector.shape_cast %slice3A_76 : vector<40x128x1xf32> to vector<40x128xf32>
    %slice3A_78 = vector.extract_strided_slice %dot_general3A_75 {offsets = [0, 0, 1], sizes = [40, 128, 1], strides = [1, 1, 1]} : vector<40x128x2xf32> to vector<40x128x1xf32>
    %squeeze3A_79 = vector.shape_cast %slice3A_78 : vector<40x128x1xf32> to vector<40x128xf32>
    %div3A_80 = arith.divf %squeeze3A_77, %squeeze3A_79 : vector<40x128xf32>
    %add3A_81 = arith.addf %div3A_80, %get3A_4 : vector<40x128xf32>
    %get3A_82 = arith.constant 0 : index
    %get3A_83 = arith.constant 0 : index
    %get3A_84 = vector.load %arg9[%get3A_82, %get3A_83] : memref<128x128xf32, #tpu.memory_space<vmem>>, vector<128x128xf32>
    %dot_general3A_85 = arith.constant dense<0.000000e+00> : vector<40x128xf32>
    %dot_general3A_86 = tpu.matmul %add3A_52, %get3A_84, %dot_general3A_85 {dimension_numbers = #tpu.dot_dimension_numbers<[1], [0], [0], [1], [0, 0, 1, 1], [], []>, transpose_lhs_hint = false} : vector<40x128xf32>, vector<128x128xf32>, vector<40x128xf32> -> vector<40x128xf32>
    %get3A_87 = arith.constant 0 : index
    %get3A_88 = arith.constant 0 : index
    %get3A_89 = vector.load %arg10[%get3A_87, %get3A_88] : memref<128x128xf32, #tpu.memory_space<vmem>>, vector<128x128xf32>
    %dot_general3A_90 = arith.constant dense<0.000000e+00> : vector<40x128xf32>
    %dot_general3A_91 = tpu.matmul %add3A_81, %get3A_89, %dot_general3A_90 {dimension_numbers = #tpu.dot_dimension_numbers<[1], [0], [0], [1], [0, 0, 1, 1], [], []>, transpose_lhs_hint = false} : vector<40x128xf32>, vector<128x128xf32>, vector<40x128xf32> -> vector<40x128xf32>
    %add3A_92 = arith.addf %dot_general3A_86, %dot_general3A_91 : vector<40x128xf32>
    %get3A_93 = arith.constant 0 : index
    %get3A_94 = arith.constant 0 : index
    %get3A_95 = vector.load %arg11[%get3A_93, %get3A_94] : memref<128x128xf32, #tpu.memory_space<vmem>>, vector<128x128xf32>
    %dot_general3A_96 = arith.constant dense<0.000000e+00> : vector<40x128xf32>
    %dot_general3A_97 = tpu.matmul %add3A_92, %get3A_95, %dot_general3A_96 {dimension_numbers = #tpu.dot_dimension_numbers<[1], [0], [0], [1], [0, 0, 1, 1], [], []>, transpose_lhs_hint = false} : vector<40x128xf32>, vector<128x128xf32>, vector<40x128xf32> -> vector<40x128xf32>
    %swap3A = arith.constant 0 : index
    %swap3A_98 = arith.constant 0 : index
    %swap3A_99 = vector.load %arg13[%swap3A, %swap3A_98] : memref<40x128xf32, #tpu.memory_space<vmem>>, vector<40x128xf32>
    tpu.vector_store %arg13[%swap3A, %swap3A_98], %add3A_52 {strides = array<i32>} : memref<40x128xf32, #tpu.memory_space<vmem>>, vector<40x128xf32>,
    %swap3A_100 = arith.constant 0 : index
    %swap3A_101 = arith.constant 0 : index
    %swap3A_102 = vector.load %arg14[%swap3A_100, %swap3A_101] : memref<40x128xf32, #tpu.memory_space<vmem>>, vector<40x128xf32>
    tpu.vector_store %arg14[%swap3A_100, %swap3A_101], %add3A_81 {strides = array<i32>} : memref<40x128xf32, #tpu.memory_space<vmem>>, vector<40x128xf32>,
    %swap3A_103 = arith.constant 0 : index
    %swap3A_104 = arith.constant 0 : index
    %swap3A_105 = vector.load %arg15[%swap3A_103, %swap3A_104] : memref<40x128xf32, #tpu.memory_space<vmem>>, vector<40x128xf32>
    tpu.vector_store %arg15[%swap3A_103, %swap3A_104], %dot_general3A_97 {strides = array<i32>} : memref<40x128xf32, #tpu.memory_space<vmem>>, vector<40x128xf32>,
    return
  }
  func.func @transform_0(%arg0: i32) -> (i32, i32) {
    %c0_i32 = arith.constant 0 : i32
    %c0_i32_0 = arith.constant 0 : i32
    return %arg0, %c0_i32 : i32, i32
  }
  func.func @transform_1(%arg0: i32) -> (i32, i32) {
    %c0_i32 = arith.constant 0 : i32
    %c0_i32_0 = arith.constant 0 : i32
    return %arg0, %c0_i32 : i32, i32
  }
  func.func @transform_2(%arg0: i32) -> (i32, i32) {
    %c0_i32 = arith.constant 0 : i32
    %c0_i32_0 = arith.constant 0 : i32
    return %arg0, %c0_i32 : i32, i32
  }
  func.func @transform_3(%arg0: i32) -> (i32, i32) {
    %c0_i32 = arith.constant 0 : i32
    %c0_i32_0 = arith.constant 0 : i32
    %c0_i32_1 = arith.constant 0 : i32
    return %c0_i32, %c0_i32_0 : i32, i32
  }
  func.func @transform_4(%arg0: i32) -> (i32, i32) {
    %c0_i32 = arith.constant 0 : i32
    %c0_i32_0 = arith.constant 0 : i32
    %c0_i32_1 = arith.constant 0 : i32
    return %c0_i32, %c0_i32_0 : i32, i32
  }
  func.func @transform_5(%arg0: i32) -> (i32, i32) {
    %c0_i32 = arith.constant 0 : i32
    %c0_i32_0 = arith.constant 0 : i32
    %c0_i32_1 = arith.constant 0 : i32
    return %c0_i32, %c0_i32_0 : i32, i32
  }
  func.func @transform_6(%arg0: i32) -> (i32, i32) {
    %c0_i32 = arith.constant 0 : i32
    %c0_i32_0 = arith.constant 0 : i32
    %c0_i32_1 = arith.constant 0 : i32
    return %c0_i32, %c0_i32_0 : i32, i32
  }
  func.func @transform_7(%arg0: i32) -> (i32, i32) {
    %c0_i32 = arith.constant 0 : i32
    %c0_i32_0 = arith.constant 0 : i32
    %c0_i32_1 = arith.constant 0 : i32
    return %c0_i32, %c0_i32_0 : i32, i32
  }
  func.func @transform_8(%arg0: i32) -> (i32, i32) {
    %c0_i32 = arith.constant 0 : i32
    %c0_i32_0 = arith.constant 0 : i32
    %c0_i32_1 = arith.constant 0 : i32
    return %c0_i32, %c0_i32_0 : i32, i32
  }
  func.func @transform_9(%arg0: i32) -> (i32, i32) {
    %c0_i32 = arith.constant 0 : i32
    %c0_i32_0 = arith.constant 0 : i32
    %c0_i32_1 = arith.constant 0 : i32
    return %c0_i32, %c0_i32_0 : i32, i32
  }
  func.func @transform_10(%arg0: i32) -> (i32, i32) {
    %c0_i32 = arith.constant 0 : i32
    %c0_i32_0 = arith.constant 0 : i32
    %c0_i32_1 = arith.constant 0 : i32
    return %c0_i32, %c0_i32_0 : i32, i32
  }
  func.func @transform_11(%arg0: i32) -> (i32, i32) {
    %c0_i32 = arith.constant 0 : i32
    %c0_i32_0 = arith.constant 0 : i32
    %c0_i32_1 = arith.constant 0 : i32
    return %c0_i32, %c0_i32_0 : i32, i32
  }
  func.func @transform_12(%arg0: i32) -> (i32, i32) {
    %c0_i32 = arith.constant 0 : i32
    %c0_i32_0 = arith.constant 0 : i32
    return %arg0, %c0_i32 : i32, i32
  }
  func.func @transform_13(%arg0: i32) -> (i32, i32) {
    %c0_i32 = arith.constant 0 : i32
    %c0_i32_0 = arith.constant 0 : i32
    return %arg0, %c0_i32 : i32, i32
  }
  func.func @transform_14(%arg0: i32) -> (i32, i32) {
    %c0_i32 = arith.constant 0 : i32
    %c0_i32_0 = arith.constant 0 : i32
    return %arg0, %c0_i32 : i32, i32
  }
}

module attributes {stable_mosaic.version = 14 : i64} {
  func.func @_pack_ext_body(%arg0: i32, %arg1: memref<2000x32xf32, #tpu.memory_space<vmem>>, %arg2: memref<2000x32xf32, #tpu.memory_space<vmem>>, %arg3: memref<2000x32xf32, #tpu.memory_space<vmem>>, %arg4: memref<2000x80xf32, #tpu.memory_space<vmem>>) attributes {dimension_semantics = [#tpu.dimension_semantics<arbitrary>], iteration_bounds = array<i64: 10>, scalar_prefetch = 0 : i64, scratch_operands = 0 : i64, tpu.core_type = #tpu.core_type<tc>, window_params = [{transform_indices = @transform_0, window_bounds = array<i64: 2000, 32>}, {transform_indices = @transform_1, window_bounds = array<i64: 2000, 32>}, {transform_indices = @transform_2, window_bounds = array<i64: 2000, 32>}, {transform_indices = @transform_3, window_bounds = array<i64: 2000, 80>}]} {
    %broadcast_in_dim3A = arith.constant 0.000000e+00 : f32
    %broadcast_in_dim3A_0 = vector.broadcast %broadcast_in_dim3A : f32 to vector<2000x14xf32>
    %get3A = arith.constant 0 : index
    %get3A_1 = arith.constant 0 : index
    %get3A_2 = vector.load %arg1[%get3A, %get3A_1] : memref<2000x32xf32, #tpu.memory_space<vmem>>, vector<2000x32xf32>
    %get3A_3 = arith.constant 0 : index
    %get3A_4 = arith.constant 0 : index
    %get3A_5 = vector.load %arg2[%get3A_3, %get3A_4] : memref<2000x32xf32, #tpu.memory_space<vmem>>, vector<2000x32xf32>
    %get3A_6 = arith.constant 0 : index
    %get3A_7 = arith.constant 0 : index
    %get3A_8 = vector.load %arg3[%get3A_6, %get3A_7] : memref<2000x32xf32, #tpu.memory_space<vmem>>, vector<2000x2xf32>
    %concatenate3A = tpu.concatenate %get3A_2, %get3A_5, %get3A_8, %broadcast_in_dim3A_0 in 1 : vector<2000x32xf32>, vector<2000x32xf32>, vector<2000x2xf32>, vector<2000x14xf32> -> vector<2000x80xf32>
    %swap3A = arith.constant 0 : index
    %swap3A_9 = arith.constant 0 : index
    %swap3A_10 = vector.load %arg4[%swap3A, %swap3A_9] : memref<2000x80xf32, #tpu.memory_space<vmem>>, vector<2000x80xf32>
    tpu.vector_store %arg4[%swap3A, %swap3A_9], %concatenate3A {strides = array<i32>} : memref<2000x80xf32, #tpu.memory_space<vmem>>, vector<2000x80xf32>,
    return
  }
  func.func @transform_0(%arg0: i32) -> (i32, i32) {
    %c0_i32 = arith.constant 0 : i32
    %c0_i32_0 = arith.constant 0 : i32
    return %arg0, %c0_i32 : i32, i32
  }
  func.func @transform_1(%arg0: i32) -> (i32, i32) {
    %c0_i32 = arith.constant 0 : i32
    %c0_i32_0 = arith.constant 0 : i32
    return %arg0, %c0_i32 : i32, i32
  }
  func.func @transform_2(%arg0: i32) -> (i32, i32) {
    %c0_i32 = arith.constant 0 : i32
    %c0_i32_0 = arith.constant 0 : i32
    return %arg0, %c0_i32 : i32, i32
  }
  func.func @transform_3(%arg0: i32) -> (i32, i32) {
    %c0_i32 = arith.constant 0 : i32
    %c0_i32_0 = arith.constant 0 : i32
    return %arg0, %c0_i32 : i32, i32
  }
}

module attributes {stable_mosaic.version = 14 : i64} {
  func.func @_final_body(%arg0: i32, %arg1: memref<5120x80xf32, #tpu.memory_space<vmem>>, %arg2: memref<160x80xf32, #tpu.memory_space<vmem>>, %arg3: memref<160x64xf32, #tpu.memory_space<vmem>>) attributes {dimension_semantics = [#tpu.dimension_semantics<arbitrary>], iteration_bounds = array<i64: 125>, scalar_prefetch = 0 : i64, scratch_operands = 0 : i64, tpu.core_type = #tpu.core_type<tc>, window_params = [{transform_indices = @transform_0, window_bounds = array<i64: 5120, 80>}, {transform_indices = @transform_1, window_bounds = array<i64: 160, 80>}, {transform_indices = @transform_2, window_bounds = array<i64: 160, 64>}]} {
    %get3A = arith.constant 0 : index
    %get3A_0 = arith.constant 0 : index
    %get3A_1 = vector.load %arg1[%get3A, %get3A_0] : memref<5120x80xf32, #tpu.memory_space<vmem>>, vector<5120x80xf32>
    %reshape3A = vector.shape_cast %get3A_1 : vector<5120x80xf32> to vector<160x32x80xf32>
    %slice3A = vector.extract_strided_slice %reshape3A {offsets = [0, 0, 64], sizes = [160, 32, 1], strides = [1, 1, 1]} : vector<160x32x80xf32> to vector<160x32x1xf32>
    %squeeze3A = vector.shape_cast %slice3A : vector<160x32x1xf32> to vector<160x32xf32>
    %get3A_2 = arith.constant 0 : index
    %get3A_3 = arith.constant 65 : index
    %get3A_4 = vector.load %arg2[%get3A_2, %get3A_3] : memref<160x80xf32, #tpu.memory_space<vmem>>, vector<160x1xf32>
    %add3A = vector.broadcast %get3A_4 : vector<160x1xf32> to vector<160x32xf32>
    %add3A_5 = arith.addf %squeeze3A, %add3A : vector<160x32xf32>
    %ge3A = arith.constant 0.000000e+00 : f32
    %ge3A_6 = vector.broadcast %ge3A : f32 to vector<160x32xf32>
    %ge3A_7 = arith.cmpf oge, %add3A_5, %ge3A_6 : vector<160x32xf32>
    %mul3A = arith.constant 2.000000e-01 : f32
    %mul3A_8 = vector.broadcast %mul3A : f32 to vector<160x32xf32>
    %mul3A_9 = arith.mulf %mul3A_8, %add3A_5 : vector<160x32xf32>
    %select_n3A = arith.select %ge3A_7, %add3A_5, %mul3A_9 : vector<160x32xi1>, vector<160x32xf32>
    %reduce_max3A = arith.constant dense<0xFF800000> : vector<160xf32>
    %reduce_max3A_10 = vector.multi_reduction <maximumf>, %select_n3A, %reduce_max3A [1] : vector<160x32xf32> to vector<160xf32>
    %max3A = arith.constant 0xFF800000 : f32
    %max3A_11 = vector.broadcast %max3A : f32 to vector<160xf32>
    %max3A_12 = arith.maximumf %max3A_11, %reduce_max3A_10 : vector<160xf32>
    %broadcast_in_dim3A = vector.shape_cast %max3A_12 : vector<160xf32> to vector<160x1xf32>
    %sub3A = vector.broadcast %broadcast_in_dim3A : vector<160x1xf32> to vector<160x32xf32>
    %sub3A_13 = arith.subf %select_n3A, %sub3A : vector<160x32xf32>
    %exp3A = math.exp %sub3A_13 : vector<160x32xf32>
    %reduce_sum3A = arith.constant dense<0.000000e+00> : vector<160xf32>
    %reduce_sum3A_14 = vector.multi_reduction <add>, %exp3A, %reduce_sum3A [1] : vector<160x32xf32> to vector<160xf32>
    %broadcast_in_dim3A_15 = vector.shape_cast %reduce_sum3A_14 : vector<160xf32> to vector<160x1xf32>
    %div3A = vector.broadcast %broadcast_in_dim3A_15 : vector<160x1xf32> to vector<160x32xf32>
    %div3A_16 = arith.divf %exp3A, %div3A : vector<160x32xf32>
    %broadcast_in_dim3A_17 = vector.shape_cast %div3A_16 : vector<160x32xf32> to vector<160x32x1xf32>
    %slice3A_18 = vector.extract_strided_slice %reshape3A {offsets = [0, 0, 0], sizes = [160, 32, 64], strides = [1, 1, 1]} : vector<160x32x80xf32> to vector<160x32x64xf32>
    %mul3A_19 = vector.broadcast %broadcast_in_dim3A_17 : vector<160x32x1xf32> to vector<160x32x64xf32>
    %mul3A_20 = arith.mulf %mul3A_19, %slice3A_18 : vector<160x32x64xf32>
    %reduce_sum3A_21 = arith.constant dense<0.000000e+00> : vector<160x64xf32>
    %reduce_sum3A_22 = vector.multi_reduction <add>, %mul3A_20, %reduce_sum3A_21 [1] : vector<160x32x64xf32> to vector<160x64xf32>
    %get3A_23 = arith.constant 0 : index
    %get3A_24 = arith.constant 0 : index
    %get3A_25 = vector.load %arg2[%get3A_23, %get3A_24] : memref<160x80xf32, #tpu.memory_space<vmem>>, vector<160x64xf32>
    %add3A_26 = arith.addf %reduce_sum3A_22, %get3A_25 : vector<160x64xf32>
    %gt3A = arith.constant 0.000000e+00 : f32
    %gt3A_27 = vector.broadcast %gt3A : f32 to vector<160x64xf32>
    %gt3A_28 = arith.cmpf ogt, %add3A_26, %gt3A_27 : vector<160x64xf32>
    %exp3A_29 = math.exp %add3A_26 : vector<160x64xf32>
    %sub3A_30 = arith.constant 1.000000e+00 : f32
    %sub3A_31 = vector.broadcast %sub3A_30 : f32 to vector<160x64xf32>
    %sub3A_32 = arith.subf %exp3A_29, %sub3A_31 : vector<160x64xf32>
    %select_n3A_33 = arith.select %gt3A_28, %add3A_26, %sub3A_32 : vector<160x64xi1>, vector<160x64xf32>
    %swap3A = arith.constant 0 : index
    %swap3A_34 = arith.constant 0 : index
    %swap3A_35 = vector.load %arg3[%swap3A, %swap3A_34] : memref<160x64xf32, #tpu.memory_space<vmem>>, vector<160x64xf32>
    tpu.vector_store %arg3[%swap3A, %swap3A_34], %select_n3A_33 {strides = array<i32>} : memref<160x64xf32, #tpu.memory_space<vmem>>, vector<160x64xf32>,
    return
  }
  func.func @transform_0(%arg0: i32) -> (i32, i32) {
    %c0_i32 = arith.constant 0 : i32
    %c0_i32_0 = arith.constant 0 : i32
    return %arg0, %c0_i32 : i32, i32
  }
  func.func @transform_1(%arg0: i32) -> (i32, i32) {
    %c0_i32 = arith.constant 0 : i32
    %c0_i32_0 = arith.constant 0 : i32
    return %arg0, %c0_i32 : i32, i32
  }
  func.func @transform_2(%arg0: i32) -> (i32, i32) {
    %c0_i32 = arith.constant 0 : i32
    %c0_i32_0 = arith.constant 0 : i32
    return %arg0, %c0_i32 : i32, i32
  }
}

</mosaic_0001>

<sc_bundles>
// kernel: kernel.11.cloned.1.call-start
scs
__scs_entry_jumppad:
0x0: {  	(pc) =	sbr.rel $0x88, $3  }
0x1: {  	(tag) =	ssettag $0x0;
	lr =	simm.s32 $0x1  }
0x2: {  	[smem:$0x3F96] =	sst lr;
	_ =	strace $0xD0000000  }
0x3: {  	_ = 	snop  }
0x4: {  	_ = 	snop  }
0x5: {  	_ = 	snop  }
0x6: {  	_ = 	snop  }
0x7: {  	_ = 	snop  }
__scs_overlays_trampoline_lowered:
0x8: {  	[smem:$0x3FA5] =	sst s0  }
0x9: {  	[smem:$0x3FA6] =	sst s1  }
0xa: {  	[smem:$0x3FA7] =	sst s2  }
0xb: {  	[smem:$0x3FA8] =	sst s3  }
0xc: {  	[smem:$0x3FA9] =	sst s4  }
0xd: {  	[smem:$0x3FAA] =	sst s5  }
0xe: {  	[smem:$0x3FAB] =	sst s6  }
0xf: {  	[smem:$0x3FAC] =	sst s7  }
0x10: {  	[smem:$0x3FAD] =	sst s8  }
0x11: {  	[smem:$0x3FAE] =	sst s9;
	s0 =	simm.s32 @!p0 $0x0  }
0x12: {  	s1 =	sld [smem:$0x3F94];
	s0 =	simm.s32 @p0 $0x1  }
0x13: {  	[smem:$0x3FAF] =	sst s0;
	s0 =	simm.s32 @!p1 $0x0  }
0x14: {  	s2 =	sld [smem:$0x3F93];
	s0 =	simm.s32 @p1 $0x1  }
0x15: {  	[smem:$0x3FB0] =	sst s0;
	s0 =	simm.s32 @!p2 $0x0  }
0x16: {  	s3 =	sld [smem:$0x3FDB];
	s0 =	simm.s32 @p2 $0x1  }
0x17: {  	s4 =	simm.s32 $0x1BF5;
	[smem:$0x3FB2] =	sst s0  }
0x18: {  	s0 =	sld [smem:$0x3F95];
	_ =	swait.ge [sflag:s4], $0x0  }
0x19: {  	s7 =	sld [smem:$0x3F96]  }
0x1a: {  	s8 =	sadd.s32 $0xFFFFE003, lr  }
0x1b: {  	s9 =	sadd.s32 $0xFFFFFEF7, lr;
	s5 =	simm.s32 $0xFFFFFFFF;
	p2 =	slt.u32 s8, $0xFFFFF086  }
0x1c: {  	p1 =	slt.u32 s9, $0xF7A;
	s5 =	simm.s32 @!p2 $0x0  }
0x1d: {  	s5 =	simm.s32 @p1 $0x1;
	p0 =	seq.s32 s7, s2  }
0x1e: {  	s7 =	smul.u32 @!p0 $0xF7A, s2;
	p2 =	seq.s32 @!p0 s5, $0x0  }
0x1f: {  	s9 =	smul.u32 $0xF7A, s1;
	s8 =	simm.s32 @!p0 $0x1BF5;
	p2 =	por !p2, p0  }
0x20: {  	[sflag:s8] =	ssyncset.s32 @!p0 $0xFFFFF086;
	s6 =	sadd.s32 @!p0 s3, s7;
	s7 =	simm.s32 @!p0 $0x108  }
0x21: {  	s3 =	sadd.s32 s3, s9;
	s6 =	sadd.s32 @!p0 $0x88, s6;
	s7 =	simm.s32 @p2 $0x1082  }
0x22: {  	[simem:s7], [sflag:s8] =	dma.local @!p0 [hbm:s6], $0xF7A  }
0x23: {  	s9 =	sor.u32 $0xD0000000, s2;
	s6 =	simm.s32 $0x108;
	_ =	swait.ge @!p0 [sflag:s8], $0x0  }
0x24: {  	s3 =	sadd.s32 $0x88, s3;
	s6 =	simm.s32 @!p1 $0x1082;
	[sflag:s4] =	ssyncset.s32 $0xFFFFF086  }
0x25: {  	[simem:s6], [sflag:s4] =	dma.local [hbm:s3], $0xF7A  }
0x26: {  	[smem:$0x3F96] =	sst s1;
	(tag) =	ssettag s2;
	_ =	strace s9  }
0x27: {  	s1 =	sld [smem:$0x3FA6]  }
0x28: {  	s2 =	sld [smem:$0x3FA7]  }
0x29: {  	s4 =	sld [smem:$0x3FA9]  }
0x2a: {  	p0 =	seq.s32 s5, $0x0;
	s5 =	sld [smem:$0x3FAA]  }
0x2b: {  	s6 =	sld [smem:$0x3FAB]  }
0x2c: {  	s7 =	sld [smem:$0x3FAC]  }
0x2d: {  	s3 =	simm.s32 $0x108;
	s8 =	sld [smem:$0x3FAD]  }
0x2e: {  	s3 =	simm.s32 @!p0 $0x1082;
	s9 =	sld [smem:$0x3FAE]  }
0x2f: {  	lr =	sadd.s32 s0, s3;
	s0 =	sld [smem:$0x3FA5]  }
0x30: {  	s3 =	sld [smem:$0x3FA8]  }
0x31: {  	[smem:$0x3FB1] =	sst s10  }
0x32: {  	s10 =	sld [smem:$0x3FAF];
	_ =	sdelay $0x3  }
0x33: {  	p0 =	seq.s32 s10, $0x1;
	s10 =	sld [smem:$0x3FB1];
	_ =	sdelay $0x3  }
0x34: {  	[smem:$0x3FB1] =	sst s10  }
0x35: {  	s10 =	sld [smem:$0x3FB0];
	_ =	sdelay $0x3  }
0x36: {  	p1 =	seq.s32 s10, $0x1;
	s10 =	sld [smem:$0x3FB1];
	_ =	sdelay $0x3  }
0x37: {  	[smem:$0x3FB1] =	sst s10  }
0x38: {  	s10 =	sld [smem:$0x3FB2]  }
0x39: {  	_ = 	snop;
	(pc) =	sbr.ind lr, $3  }
0x3a: {  	_ = 	snop  }
0x3b: {  	_ = 	snop  }
0x3c: {  	p2 =	seq.s32 s10, $0x1;
	s10 =	sld [smem:$0x3FB1]  }
0x3d: {  	_ =	shalt  }
0x3e: {  	_ =	shalt  }
0x3f: {  	_ =	shalt  }
0x40: {  	_ =	shalt  }
0x41: {  	_ =	shalt  }
0x42: {  	_ =	shalt  }
0x43: {  	_ =	shalt  }
0x44: {  	_ =	shalt  }
0x45: {  	_ =	shalt  }
0x46: {  	_ =	shalt  }
0x47: {  	_ =	shalt  }
0x48: {  	_ =	shalt  }
0x49: {  	_ =	shalt  }
0x4a: {  	_ =	shalt  }
0x4b: {  	_ =	shalt  }
0x4c: {  	_ =	shalt  }
0x4d: {  	_ =	shalt  }
0x4e: {  	_ =	shalt  }
0x4f: {  	_ =	shalt  }
0x50: {  	_ =	shalt  }
0x51: {  	_ =	shalt  }
0x52: {  	_ =	shalt  }
0x53: {  	_ =	shalt  }
0x54: {  	_ =	shalt  }
0x55: {  	_ =	shalt  }
0x56: {  	_ =	shalt  }
0x57: {  	_ =	shalt  }
0x58: {  	_ =	shalt  }
0x59: {  	_ =	shalt  }
0x5a: {  	_ =	shalt  }
0x5b: {  	_ =	shalt  }
0x5c: {  	_ =	shalt  }
0x5d: {  	_ =	shalt  }
0x5e: {  	_ =	shalt  }
0x5f: {  	_ =	shalt  }
0x60: {  	_ =	shalt  }
0x61: {  	_ =	shalt  }
0x62: {  	_ =	shalt  }
0x63: {  	_ =	shalt  }
0x64: {  	_ =	shalt  }
0x65: {  	_ =	shalt  }
0x66: {  	_ =	shalt  }
0x67: {  	_ =	shalt  }
0x68: {  	_ =	shalt  }
0x69: {  	_ =	shalt  }
0x6a: {  	_ =	shalt  }
0x6b: {  	_ =	shalt  }
0x6c: {  	_ =	shalt  }
0x6d: {  	_ =	shalt  }
0x6e: {  	_ =	shalt  }
0x6f: {  	_ =	shalt  }
0x70: {  	_ =	shalt  }
0x71: {  	_ =	shalt  }
0x72: {  	_ =	shalt  }
0x73: {  	_ =	shalt  }
0x74: {  	_ =	shalt  }
0x75: {  	_ =	shalt  }
0x76: {  	_ =	shalt  }
0x77: {  	_ =	shalt  }
0x78: {  	_ =	shalt  }
0x79: {  	_ =	shalt  }
0x7a: {  	_ =	shalt  }
0x7b: {  	_ =	shalt  }
0x7c: {  	_ =	shalt  }
0x7d: {  	_ =	shalt  }
0x7e: {  	_ =	shalt  }
0x7f: {  	_ =	shalt  }
0x80: {  	_ =	shalt  }
0x81: {  	_ =	shalt  }
0x82: {  	_ =	shalt  }
0x83: {  	_ =	shalt  }
0x84: {  	_ =	shalt  }
0x85: {  	_ =	shalt  }
0x86: {  	_ =	shalt  }
0x87: {  	_ =	shalt  }
.Lfunc_end0:
.L_simem_size_0:
called_computation.1_lowered:
.L_overlay_start_0:
0x88: {  	s2 =	sld [smem:$0x3FD9]  }
0x89: {  	s3 =	sld [smem:$0x3FFE];
	_ =	sdelay $0x1  }
0x8a: {  	s1 =	srdreg.scid  }
0x8b: {  	s0 =	sand.u32 $0x1, s1  }
0x8c: {  	s16 =	sshll.u32 s0, $0xA;
	s2 =	sadd.s32 s3, s2  }
0x8d: {  	s2 =	sadd.s32 s2, s16  }
0x8e: {  	[smem:$0x3FBD] =	sst s2  }
0x8f: {  	_ = 	snop  }
0x90: {  	(tm) =	ssettm $0x1  }
0x91: {  	s17 =	sld [smem:$0x3FFB];
	_ =	sdelay $0x3  }
0x92: {  	_ =	strace s17  }
0x93: {  	s2 =	sld [smem:$0x3FFC];
	_ =	sdelay $0x3  }
0x94: {  	_ =	strace s2  }
0x95: {  	s2 =	sld [smem:$0x3FFD];
	_ =	sdelay $0x3  }
0x96: {  	_ =	strace s2  }
0x97: {  	_ =	strace $0x8FFFFFFF  }
0x98: {  	s18 =	sld [smem:$0x3FDB];
	_ =	sdelay $0x1  }
0x99: {  	s19 =	simm.s32 $_scs_section_size  }
0x9a: {  	s4 =	simm.s32 $_size__tile_overlayer_lowered;
	s5 =	simm.s32 $_tile_overlayer_lowered  }
0x9b: {  	s22 =	simm.s32 $0x1BFF;
	s21 =	sshll.u32 s5, $0x1;
	s2 =	sadd.s32 s19, s18  }
0x9c: {  	s6 =	simm.s32 $0x0;
	s20 =	sshll.u32 s4, $0x1;
	s4 =	sadd.s32 s21, s2  }
0x9d: {  	[timem:s6], [sflag:s22] =	dma.local [hbm:s4], s20  }
0x9e: {  	_ =	swait.ge [sflag:s22], s20  }
0x9f: {  	s3 =	ssub.s32 $0x0, s20;
	[sflag:s22] =	ssyncset.done $0x0  }
0xa0: {  	[sflag:s22] =	ssyncadd.s32 s3;
	_ =	sdelay $0x1  }
0xa1: {  	s23 =	simm.s32 $0x1B8B  }
0xa2: {  	_ =	swait.ge [sflag:s23], $0x1  }
0xa3: {  	[sflag:s23] =	ssyncset.done $0x0  }
0xa4: {  	s25 =	simm.s32 $0x1B8E;
	s24 =	sld [smem:$0x3FFE];
	[sflag:s23] =	ssyncadd.s32 $0xFFFFFFFF  }
0xa5: {  	s26 =	simm.s32 $execute0_lowered;
	[smem:$0x3FD2] =	sst s25  }
0xa6: {  	s4 =	sshll.u32 s26, $0x1;
	_ =	strace $0x80000049;
	[dreg:$0x1] =	wrdreg $0xFFFFFFFF  }
0xa7: {  	s28 =	simm.s32 $_size_execute0_lowered;
	s2 =	sadd.s32 s2, s4;
	[dreg:$0x0] =	wrdreg $0x0  }
0xa8: {  	s4 =	sshll.u32 s28, $0x1;
	[dreg:$0x2] =	wrdreg s2  }
0xa9: {  	[dreg:$0x3] =	wrdreg s4  }
0xaa: {  	[dreg:$0x4] =	wrdreg $0xC0  }
0xab: {  	_ =	task [dreg:s6], $0x5FFFF  }
0xac: {  	[dreg:$0x1] =	wrdreg $0xFFFFFFFF  }
0xad: {  	[dreg:$0x0] =	wrdreg $0x60  }
0xae: {  	[dreg:$0x2] =	wrdreg s24  }
0xaf: {  	[dreg:$0x3] =	wrdreg $0x9  }
0xb0: {  	_ =	task.clear_ibuf [dreg:s6], $0x4FFFF;
	_ =	strace $0x90000049  }
0xb1: {  	s29 =	simm.s32 $0x9;
	_ =	strace $0x8000004B  }
0xb2: {  	_ =	swait.ge [sflag:s29], $0x1  }
0xb3: {  	[sflag:s29] =	ssyncadd.s32 $0xFFFFFFFF  }
0xb4: {  	_ =	strace $0x9000004B  }
0xb5: {  	_ =	sfence  }
0xb6: {  	s30 =	sld [smem:$0x0];
	_ =	sdelay $0x2  }
0xb7: {  	s31 =	sshll.u32 s1, $0xD;
	s1 =	sshrl.u32 s1, $0x2  }
0xb8: {  	s3 =	sand.u32 $0x4000, s31;
	s1 =	sadd.s32 s1, s30  }
0xb9: {  	s0 =	sor.u32 s3, s0;
	s1 =	sshll.u32 s1, $0x11  }
0xba: {  	s0 =	sor.u32 s1, s0  }
0xbb: {  	s0 =	sadd.s32 $0x8F2B, s0  }
0xbc: {  	[sflag:s0] =	ssyncadd.remote.s32 $0x1  }
0xbd: {  	_ =	sfence.sel $0xFFFF  }
0xbe: {  	[dreg:$0x0] =	wrdreg $0xFFFFFFFF;
	(pc) =	sbr.abs _section_cstart, $3  }
0xbf: {  	[dreg:$0x1] =	wrdreg $0xFFFFFFFF  }
0xc0: {  	_ =	task.clear_ibuf [dreg:s6], $0x2FFFF;
	_ =	strace $0x9FFFFFFF  }
0xc1: {  	(tm) =	ssettm $0x7FFFFFFF  }
tec
execute0_lowered:
.L_overlay_start_1:
0x0: {  	(tag) =	ssettag $0x1  }
0x1: {  	s4 =	rddreg [dreg:$0x0]  }
0x2: {  	s0 =	rddreg [dreg:$0x1];
	s2 =	simm.s32 $0x0  }
0x3: {  	s1 =	stileid.u32;
	s3 =	srdreg.scid;
	s12 =	simm.s32 $0x1  }
0x4: {  	s13 =	simm.s32 $0x2;
	s14 =	simm.s32 $0x3;
	s15 =	simm.s32 $0x4  }
0x5: {  	s16 =	simm.s32 $0x0;
	[smem:$0x7FF] =	sst s2;
	s6 =	smul.u32 $0x9C40, s1  }
0x6: {  	s5 =	sand.u32 $0x1, s3;
	s3 =	sadd.s32 $0x65400, s4;
	s10 =	smul.u32 $0x61A80, s1  }
0x7: {  	s9 =	sadd.s32 $0x3800, s4;
	s7 =	ssub.s32 $0x2, s5;
	s8 =	smul.u32 $0x4E20, s5  }
0x8: {  	_ =	strace $0x8000004A;
	s5 =	smul.u32 $0x30D40, s5;
	s11 =	sshrl.u32 s7, $0x1  }
0x9: {  	s30 =	sadd.s32 s10, s4;
	s10 =	simm.s32 $0x320;
	s7 =	ssub.s32 s7, s11  }
0xa: {  	s6 =	sadd.s32 s8, s6;
	s5 =	sadd.s32 s5, s30;
	s8 =	simm.s32 $0x5  }
0xb: {  	s11 =	simm.s32 $0x8020;
	s4 =	smax.u32 s7, $0x1;
	s31 =	sadd.s32 $0x190, s6  }
0xc: {  	s6 =	sshrl.u32 s6, $0x3;
	s5 =	sadd.s32 $0x96200, s5;
	s7 =	sshrl.u32 s31, $0x3  }
0xd: {  	s6 =	sadd.s32 s6, s9;
	s7 =	sadd.s32 s7, s9;
	s9 =	simm.s32 $0x190  }
.LBB2_1:
0xe: {  	s17 =	sadd.s32 $0x0, s6  }
0xf: {  	[tilespmem:s2], [sflag:$0x5] =	stream.linear.gather [hbm4b:s17+s2], $0x190, $0x38;
	[tilespmem:$0xFD20] =	vst v63  }
0x10: {  	_ =	swait.ge [sflag:s8], $0x190  }
0x11: {  	[sflag:s8] =	ssyncset.done $0x0  }
0x12: {  	[sflag:s8] =	ssyncadd.s32 $0xFFFFFE70  }
0x13: {  	[tilespmem:s10], [sflag:$0x1] =	stream.indirect.gather [hbm4b:s3+s9], $0x50, s2, s9, $0xb8;
	[tilespmem:$0xFD20] =	vst v63  }
0x14: {  	s30 =	sadd.s32 $0x0, s7  }
0x15: {  	[tilespmem:s9], [sflag:$0x5] =	stream.linear.gather [hbm4b:s30+s2], $0x190, $0x38;
	[tilespmem:$0xFD20] =	vst v63  }
0x16: {  	_ =	swait.ge [sflag:s8], $0x190  }
0x17: {  	[sflag:s8] =	ssyncset.done $0x0  }
0x18: {  	[sflag:s8] =	ssyncadd.s32 $0xFFFFFE70  }
0x19: {  	[tilespmem:s11], [sflag:$0x2] =	stream.indirect.gather [hbm4b:s3+s9], $0x50, s9, s9, $0xb8;
	[tilespmem:$0xFD20] =	vst v63  }
0x1a: {  	_ =	swait.ge [sflag:s12], $0x7D00  }
0x1b: {  	[sflag:s12] =	ssyncset.done $0x0  }
0x1c: {  	[sflag:s12] =	ssyncadd.s32 $0xFFFF8300  }
0x1d: {  	[hbm4b:s5+s2] =	stream.linear.scatter [tilespmem:s10], [sflag:$0x3], $0x7D00, $0x38;
	[tilespmem:$0xFD20] =	vst v63  }
0x1e: {  	_ =	swait.ge [sflag:s13], $0x7D00  }
0x1f: {  	[sflag:s13] =	ssyncset.done $0x0  }
0x20: {  	s31 =	sadd.s32 $0xFA0, s5;
	[sflag:s13] =	ssyncadd.s32 $0xFFFF8300  }
0x21: {  	[hbm4b:s31+s2] =	stream.linear.scatter [tilespmem:s11], [sflag:$0x4], $0x7D00, $0x38;
	[tilespmem:$0xFD20] =	vst v63  }
0x22: {  	_ =	swait.ge [sflag:s14], $0x7D00  }
0x23: {  	[sflag:s14] =	ssyncset.done $0x0  }
0x24: {  	[sflag:s14] =	ssyncadd.s32 $0xFFFF8300  }
0x25: {  	s18 =	simm.s32 $0x64;
	_ =	swait.ge [sflag:s15], $0x7D00  }
0x26: {  	s19 =	simm.s32 $0xC8;
	s17 =	sadd.s32 $0x1F40, s5;
	[sflag:s15] =	ssyncset.done $0x0  }
.LBB2_2:
0x27: {  	s20 =	sadd.s32 s18, s6  }
0x28: {  	[sflag:s15] =	ssyncadd.s32 $0xFFFF8300;
	s21 =	smov.u32 s19;
	s22 =	sadd.s32 $0x64, s19  }
0x29: {  	[tilespmem:s2], [sflag:$0x5] =	stream.linear.gather [hbm4b:s20+s2], $0x190, $0x38;
	[tilespmem:$0xFD20] =	vst v63  }
0x2a: {  	p0 =	sne.s32 s19, $0x960;
	_ =	swait.ge [sflag:s8], $0x190  }
0x2b: {  	[sflag:s8] =	ssyncset.done $0x0  }
0x2c: {  	[sflag:s8] =	ssyncadd.s32 $0xFFFFFE70  }
0x2d: {  	[tilespmem:s10], [sflag:$0x1] =	stream.indirect.gather [hbm4b:s3+s9], $0x50, s2, s9, $0xb8;
	[tilespmem:$0xFD20] =	vst v63  }
0x2e: {  	s19 =	sadd.s32 s18, s7;
	s18 =	smov.u32 s21  }
0x2f: {  	[tilespmem:s9], [sflag:$0x5] =	stream.linear.gather [hbm4b:s19+s2], $0x190, $0x38;
	[tilespmem:$0xFD20] =	vst v63  }
0x30: {  	_ =	swait.ge [sflag:s8], $0x190  }
0x31: {  	[sflag:s8] =	ssyncset.done $0x0  }
0x32: {  	[sflag:s8] =	ssyncadd.s32 $0xFFFFFE70  }
0x33: {  	[tilespmem:s11], [sflag:$0x2] =	stream.indirect.gather [hbm4b:s3+s9], $0x50, s9, s9, $0xb8;
	[tilespmem:$0xFD20] =	vst v63  }
0x34: {  	_ =	swait.ge [sflag:s12], $0x7D00  }
0x35: {  	[sflag:s12] =	ssyncset.done $0x0  }
0x36: {  	[sflag:s12] =	ssyncadd.s32 $0xFFFF8300  }
0x37: {  	[hbm4b:s17+s2] =	stream.linear.scatter [tilespmem:s10], [sflag:$0x3], $0x7D00, $0x38;
	[tilespmem:$0xFD20] =	vst v63  }
0x38: {  	_ =	swait.ge [sflag:s13], $0x7D00  }
0x39: {  	[sflag:s13] =	ssyncset.done $0x0  }
0x3a: {  	s19 =	sadd.s32 $0xFA0, s17;
	[sflag:s13] =	ssyncadd.s32 $0xFFFF8300  }
0x3b: {  	[hbm4b:s19+s2] =	stream.linear.scatter [tilespmem:s11], [sflag:$0x4], $0x7D00, $0x38;
	[tilespmem:$0xFD20] =	vst v63  }
.Ltmp0:
0x3c: {  	_ =	swait.ge [sflag:s14], $0x7D00;
	(pc) =	sbr.rel @p0 .LBB2_2-.Ltmp0, $4  }
0x3d: {  	[sflag:s14] =	ssyncset.done $0x0  }
0x3e: {  	[sflag:s14] =	ssyncadd.s32 $0xFFFF8300  }
0x3f: {  	_ =	swait.ge [sflag:s15], $0x7D00  }
0x40: {  	s17 =	sadd.s32 $0x1F40, s17;
	s19 =	smov.u32 s22;
	[sflag:s15] =	ssyncset.done $0x0  }
0x41: {  	s19 =	sadd.s32 s18, s6;
	[sflag:s15] =	ssyncadd.s32 $0xFFFF8300  }
0x42: {  	[tilespmem:s2], [sflag:$0x5] =	stream.linear.gather [hbm4b:s19+s2], $0x190, $0x38;
	[tilespmem:$0xFD20] =	vst v63  }
0x43: {  	_ =	swait.ge [sflag:s8], $0x190  }
0x44: {  	[sflag:s8] =	ssyncset.done $0x0  }
0x45: {  	[sflag:s8] =	ssyncadd.s32 $0xFFFFFE70  }
0x46: {  	[tilespmem:s10], [sflag:$0x1] =	stream.indirect.gather [hbm4b:s3+s9], $0x50, s2, s9, $0xb8;
	[tilespmem:$0xFD20] =	vst v63  }
0x47: {  	s30 =	sadd.s32 s18, s7  }
0x48: {  	[tilespmem:s9], [sflag:$0x5] =	stream.linear.gather [hbm4b:s30+s2], $0x190, $0x38;
	[tilespmem:$0xFD20] =	vst v63  }
0x49: {  	_ =	swait.ge [sflag:s8], $0x190  }
0x4a: {  	[sflag:s8] =	ssyncset.done $0x0  }
0x4b: {  	[sflag:s8] =	ssyncadd.s32 $0xFFFFFE70  }
0x4c: {  	[tilespmem:s11], [sflag:$0x2] =	stream.indirect.gather [hbm4b:s3+s9], $0x50, s9, s9, $0xb8;
	[tilespmem:$0xFD20] =	vst v63  }
0x4d: {  	_ =	swait.ge [sflag:s12], $0x7D00  }
0x4e: {  	[sflag:s12] =	ssyncset.done $0x0  }
0x4f: {  	[sflag:s12] =	ssyncadd.s32 $0xFFFF8300  }
0x50: {  	[hbm4b:s17+s2] =	stream.linear.scatter [tilespmem:s10], [sflag:$0x3], $0x7D00, $0x38;
	[tilespmem:$0xFD20] =	vst v63  }
0x51: {  	_ =	swait.ge [sflag:s13], $0x7D00  }
0x52: {  	[sflag:s13] =	ssyncset.done $0x0  }
0x53: {  	s31 =	sadd.s32 $0xFA0, s17;
	s16 =	sadd.s32 $0x1, s16;
	[sflag:s13] =	ssyncadd.s32 $0xFFFF8300  }
0x54: {  	[hbm4b:s31+s2] =	stream.linear.scatter [tilespmem:s11], [sflag:$0x4], $0x7D00, $0x38;
	[tilespmem:$0xFD20] =	vst v63  }
0x55: {  	p0 =	sne.s32 s16, s4;
	_ =	swait.ge [sflag:s14], $0x7D00  }
.Ltmp1:
0x56: {  	[sflag:s14] =	ssyncset.done $0x0;
	(pc) =	sbr.rel @p0 .LBB2_1-.Ltmp1, $4  }
0x57: {  	[sflag:s14] =	ssyncadd.s32 $0xFFFF8300  }
0x58: {  	_ =	swait.ge [sflag:s15], $0x7D00  }
0x59: {  	[sflag:s15] =	ssyncset.done $0x0  }
0x5a: {  	[sflag:s15] =	ssyncadd.s32 $0xFFFF8300  }
0x5b: {  	_ =	sfence.sel $0x180000  }
0x5c: {  	[bflag:$0x0] =	sbarrier.arrive $0xFFFF  }
0x5d: {  	p0 =	sne.s32 s1, $0x0;
	_ =	strace $0x9000004A  }
0x5e: {  	s0 =	sadd.s32 @!p0 $0x100000, s0;
	[bflag:$0x2] =	sbarrier.arrive $0xFFFF  }
0x5f: {  	[sflag:s0] =	ssyncadd.tile.s32 @!p0 $0x1;
	_ =	shalt  }
.Lfunc_end2:
_tile_overlayer_lowered:
.L_overlay_start_2:
0x60: {  	(tag) =	ssettag $0x2  }
0x61: {  	s0 =	rddreg [dreg:$0x0];
	s2 =	stileid.u32  }
0x62: {  	s1 =	rddreg [dreg:$0x1];
	p0 =	sne.s32 s2, $0x0  }
0x63: {  	s3 =	rddreg [dreg:$0x2];
	[bflag:$0x3] =	sbarrier.arrive $0xFFFF;
	s2 =	simm.s32 @!p0 $0x1C05  }
0x64: {  	[timem:s3], [sflag:s2] =	dma.local @!p0 [hbm:s0], s1  }
0x65: {  	s0 =	simm.s32 @!p0 $0x5  }
0x66: {  	_ =	swait.ge @!p0 [sflag:s0], s1  }
0x67: {  	s1 =	ssub.s32 @!p0 $0x0, s1;
	[sflag:s0] =	ssyncset.done @!p0 $0x0  }
0x68: {  	[sflag:s0] =	ssyncadd.s32 @!p0 s1  }
0x69: {  	[bflag:$0x3] =	sbarrier.arrive $0xFFFF  }
0x6a: {  	_ =	shalt  }

// kernel: kernel.8.cloned.1.call-start
scs
__scs_entry_jumppad:
0x0: {  	(pc) =	sbr.rel $0x88, $3  }
0x1: {  	(tag) =	ssettag $0x0;
	lr =	simm.s32 $0x1  }
0x2: {  	[smem:$0x3F96] =	sst lr;
	_ =	strace $0xD0000000  }
0x3: {  	_ = 	snop  }
0x4: {  	_ = 	snop  }
0x5: {  	_ = 	snop  }
0x6: {  	_ = 	snop  }
0x7: {  	_ = 	snop  }
__scs_overlays_trampoline_lowered:
0x8: {  	[smem:$0x3FA5] =	sst s0  }
0x9: {  	[smem:$0x3FA6] =	sst s1  }
0xa: {  	[smem:$0x3FA7] =	sst s2  }
0xb: {  	[smem:$0x3FA8] =	sst s3  }
0xc: {  	[smem:$0x3FA9] =	sst s4  }
0xd: {  	[smem:$0x3FAA] =	sst s5  }
0xe: {  	[smem:$0x3FAB] =	sst s6  }
0xf: {  	[smem:$0x3FAC] =	sst s7  }
0x10: {  	[smem:$0x3FAD] =	sst s8  }
0x11: {  	[smem:$0x3FAE] =	sst s9;
	s0 =	simm.s32 @!p0 $0x0  }
0x12: {  	s1 =	sld [smem:$0x3F94];
	s0 =	simm.s32 @p0 $0x1  }
0x13: {  	[smem:$0x3FAF] =	sst s0;
	s0 =	simm.s32 @!p1 $0x0  }
0x14: {  	s2 =	sld [smem:$0x3F93];
	s0 =	simm.s32 @p1 $0x1  }
0x15: {  	[smem:$0x3FB0] =	sst s0;
	s0 =	simm.s32 @!p2 $0x0  }
0x16: {  	s3 =	sld [smem:$0x3FDB];
	s0 =	simm.s32 @p2 $0x1  }
0x17: {  	s4 =	simm.s32 $0x1BF5;
	[smem:$0x3FB2] =	sst s0  }
0x18: {  	s0 =	sld [smem:$0x3F95];
	_ =	swait.ge [sflag:s4], $0x0  }
0x19: {  	s7 =	sld [smem:$0x3F96]  }
0x1a: {  	s8 =	sadd.s32 $0xFFFFE003, lr  }
0x1b: {  	s9 =	sadd.s32 $0xFFFFFEF7, lr;
	s5 =	simm.s32 $0xFFFFFFFF;
	p2 =	slt.u32 s8, $0xFFFFF086  }
0x1c: {  	p1 =	slt.u32 s9, $0xF7A;
	s5 =	simm.s32 @!p2 $0x0  }
0x1d: {  	s5 =	simm.s32 @p1 $0x1;
	p0 =	seq.s32 s7, s2  }
0x1e: {  	s7 =	smul.u32 @!p0 $0xF7A, s2;
	p2 =	seq.s32 @!p0 s5, $0x0  }
0x1f: {  	s9 =	smul.u32 $0xF7A, s1;
	s8 =	simm.s32 @!p0 $0x1BF5;
	p2 =	por !p2, p0  }
0x20: {  	[sflag:s8] =	ssyncset.s32 @!p0 $0xFFFFF086;
	s6 =	sadd.s32 @!p0 s3, s7;
	s7 =	simm.s32 @!p0 $0x108  }
0x21: {  	s3 =	sadd.s32 s3, s9;
	s6 =	sadd.s32 @!p0 $0x88, s6;
	s7 =	simm.s32 @p2 $0x1082  }
0x22: {  	[simem:s7], [sflag:s8] =	dma.local @!p0 [hbm:s6], $0xF7A  }
0x23: {  	s9 =	sor.u32 $0xD0000000, s2;
	s6 =	simm.s32 $0x108;
	_ =	swait.ge @!p0 [sflag:s8], $0x0  }
0x24: {  	s3 =	sadd.s32 $0x88, s3;
	s6 =	simm.s32 @!p1 $0x1082;
	[sflag:s4] =	ssyncset.s32 $0xFFFFF086  }
0x25: {  	[simem:s6], [sflag:s4] =	dma.local [hbm:s3], $0xF7A  }
0x26: {  	[smem:$0x3F96] =	sst s1;
	(tag) =	ssettag s2;
	_ =	strace s9  }
0x27: {  	s1 =	sld [smem:$0x3FA6]  }
0x28: {  	s2 =	sld [smem:$0x3FA7]  }
0x29: {  	s4 =	sld [smem:$0x3FA9]  }
0x2a: {  	p0 =	seq.s32 s5, $0x0;
	s5 =	sld [smem:$0x3FAA]  }
0x2b: {  	s6 =	sld [smem:$0x3FAB]  }
0x2c: {  	s7 =	sld [smem:$0x3FAC]  }
0x2d: {  	s3 =	simm.s32 $0x108;
	s8 =	sld [smem:$0x3FAD]  }
0x2e: {  	s3 =	simm.s32 @!p0 $0x1082;
	s9 =	sld [smem:$0x3FAE]  }
0x2f: {  	lr =	sadd.s32 s0, s3;
	s0 =	sld [smem:$0x3FA5]  }
0x30: {  	s3 =	sld [smem:$0x3FA8]  }
0x31: {  	[smem:$0x3FB1] =	sst s10  }
0x32: {  	s10 =	sld [smem:$0x3FAF];
	_ =	sdelay $0x3  }
0x33: {  	p0 =	seq.s32 s10, $0x1;
	s10 =	sld [smem:$0x3FB1];
	_ =	sdelay $0x3  }
0x34: {  	[smem:$0x3FB1] =	sst s10  }
0x35: {  	s10 =	sld [smem:$0x3FB0];
	_ =	sdelay $0x3  }
0x36: {  	p1 =	seq.s32 s10, $0x1;
	s10 =	sld [smem:$0x3FB1];
	_ =	sdelay $0x3  }
0x37: {  	[smem:$0x3FB1] =	sst s10  }
0x38: {  	s10 =	sld [smem:$0x3FB2]  }
0x39: {  	_ = 	snop;
	(pc) =	sbr.ind lr, $3  }
0x3a: {  	_ = 	snop  }
0x3b: {  	_ = 	snop  }
0x3c: {  	p2 =	seq.s32 s10, $0x1;
	s10 =	sld [smem:$0x3FB1]  }
0x3d: {  	_ =	shalt  }
0x3e: {  	_ =	shalt  }
0x3f: {  	_ =	shalt  }
0x40: {  	_ =	shalt  }
0x41: {  	_ =	shalt  }
0x42: {  	_ =	shalt  }
0x43: {  	_ =	shalt  }
0x44: {  	_ =	shalt  }
0x45: {  	_ =	shalt  }
0x46: {  	_ =	shalt  }
0x47: {  	_ =	shalt  }
0x48: {  	_ =	shalt  }
0x49: {  	_ =	shalt  }
0x4a: {  	_ =	shalt  }
0x4b: {  	_ =	shalt  }
0x4c: {  	_ =	shalt  }
0x4d: {  	_ =	shalt  }
0x4e: {  	_ =	shalt  }
0x4f: {  	_ =	shalt  }
0x50: {  	_ =	shalt  }
0x51: {  	_ =	shalt  }
0x52: {  	_ =	shalt  }
0x53: {  	_ =	shalt  }
0x54: {  	_ =	shalt  }
0x55: {  	_ =	shalt  }
0x56: {  	_ =	shalt  }
0x57: {  	_ =	shalt  }
0x58: {  	_ =	shalt  }
0x59: {  	_ =	shalt  }
0x5a: {  	_ =	shalt  }
0x5b: {  	_ =	shalt  }
0x5c: {  	_ =	shalt  }
0x5d: {  	_ =	shalt  }
0x5e: {  	_ =	shalt  }
0x5f: {  	_ =	shalt  }
0x60: {  	_ =	shalt  }
0x61: {  	_ =	shalt  }
0x62: {  	_ =	shalt  }
0x63: {  	_ =	shalt  }
0x64: {  	_ =	shalt  }
0x65: {  	_ =	shalt  }
0x66: {  	_ =	shalt  }
0x67: {  	_ =	shalt  }
0x68: {  	_ =	shalt  }
0x69: {  	_ =	shalt  }
0x6a: {  	_ =	shalt  }
0x6b: {  	_ =	shalt  }
0x6c: {  	_ =	shalt  }
0x6d: {  	_ =	shalt  }
0x6e: {  	_ =	shalt  }
0x6f: {  	_ =	shalt  }
0x70: {  	_ =	shalt  }
0x71: {  	_ =	shalt  }
0x72: {  	_ =	shalt  }
0x73: {  	_ =	shalt  }
0x74: {  	_ =	shalt  }
0x75: {  	_ =	shalt  }
0x76: {  	_ =	shalt  }
0x77: {  	_ =	shalt  }
0x78: {  	_ =	shalt  }
0x79: {  	_ =	shalt  }
0x7a: {  	_ =	shalt  }
0x7b: {  	_ =	shalt  }
0x7c: {  	_ =	shalt  }
0x7d: {  	_ =	shalt  }
0x7e: {  	_ =	shalt  }
0x7f: {  	_ =	shalt  }
0x80: {  	_ =	shalt  }
0x81: {  	_ =	shalt  }
0x82: {  	_ =	shalt  }
0x83: {  	_ =	shalt  }
0x84: {  	_ =	shalt  }
0x85: {  	_ =	shalt  }
0x86: {  	_ =	shalt  }
0x87: {  	_ =	shalt  }
.Lfunc_end0:
.L_simem_size_0:
called_computation_lowered:
.L_overlay_start_0:
0x88: {  	s2 =	sld [smem:$0x3FD9]  }
0x89: {  	s3 =	sld [smem:$0x3FFE];
	_ =	sdelay $0x1  }
0x8a: {  	s1 =	srdreg.scid  }
0x8b: {  	s0 =	sand.u32 $0x1, s1  }
0x8c: {  	s17 =	sshll.u32 s0, $0xA;
	s2 =	sadd.s32 s3, s2  }
0x8d: {  	s2 =	sadd.s32 s2, s17  }
0x8e: {  	[smem:$0x3FBD] =	sst s2  }
0x8f: {  	_ = 	snop  }
0x90: {  	s2 =	sld [smem:$0x3FD0];
	(tm) =	ssettm $0x1  }
0x91: {  	s18 =	sld [smem:$0x3FFB];
	_ =	sdelay $0x3  }
0x92: {  	_ =	strace s18  }
0x93: {  	s3 =	sld [smem:$0x3FFC];
	_ =	sdelay $0x3  }
0x94: {  	_ =	strace s3  }
0x95: {  	s3 =	sld [smem:$0x3FFD];
	_ =	sdelay $0x3  }
0x96: {  	_ =	strace s3  }
0x97: {  	_ =	strace $0x8FFFFFFF  }
0x98: {  	s19 =	sld [smem:$0x3FDB];
	_ =	sdelay $0x1  }
0x99: {  	s4 =	simm.s32 $_scs_section_size  }
0x9a: {  	s5 =	simm.s32 $_size__tile_overlayer_lowered;
	s6 =	simm.s32 $_tile_overlayer_lowered  }
0x9b: {  	s22 =	simm.s32 $0x1BFF;
	s21 =	sshll.u32 s6, $0x1;
	s3 =	sadd.s32 s4, s19  }
0x9c: {  	s7 =	simm.s32 $0x0;
	s20 =	sshll.u32 s5, $0x1;
	s5 =	sadd.s32 s21, s3  }
0x9d: {  	[timem:s7], [sflag:s22] =	dma.local [hbm:s5], s20  }
0x9e: {  	_ =	swait.ge [sflag:s22], s20  }
0x9f: {  	s4 =	ssub.s32 $0x0, s20;
	[sflag:s22] =	ssyncset.done $0x0  }
0xa0: {  	[sflag:s22] =	ssyncadd.s32 s4;
	_ =	sdelay $0x1  }
0xa1: {  	s23 =	simm.s32 $0x1B8B  }
0xa2: {  	_ =	swait.ge [sflag:s23], $0x1  }
0xa3: {  	[sflag:s23] =	ssyncset.done $0x0  }
0xa4: {  	s25 =	simm.s32 $0x1B8E;
	s24 =	sld [smem:$0x3FFE];
	[sflag:s23] =	ssyncadd.s32 $0xFFFFFFFF  }
0xa5: {  	s26 =	simm.s32 $execute0_lowered;
	[smem:$0x3FD2] =	sst s25  }
0xa6: {  	s5 =	sshll.u32 s26, $0x1;
	_ =	strace $0x80000046;
	[dreg:$0x1] =	wrdreg $0xFFFFFFFF  }
0xa7: {  	s28 =	simm.s32 $_size_execute0_lowered;
	s3 =	sadd.s32 s3, s5;
	[dreg:$0x0] =	wrdreg $0x0  }
0xa8: {  	s5 =	sshll.u32 s28, $0x1;
	[dreg:$0x2] =	wrdreg s3  }
0xa9: {  	[dreg:$0x3] =	wrdreg s5  }
0xaa: {  	[dreg:$0x4] =	wrdreg $0xC0  }
0xab: {  	_ =	task [dreg:s7], $0x5FFFF  }
0xac: {  	[dreg:$0x1] =	wrdreg $0xFFFFFFFF  }
0xad: {  	[dreg:$0x0] =	wrdreg $0x60  }
0xae: {  	[dreg:$0x2] =	wrdreg s2  }
0xaf: {  	[dreg:$0x3] =	wrdreg s24  }
0xb0: {  	[dreg:$0x4] =	wrdreg $0x9  }
0xb1: {  	_ =	task.clear_ibuf [dreg:s7], $0x5FFFF;
	_ =	strace $0x90000046  }
0xb2: {  	s29 =	simm.s32 $0x9;
	_ =	strace $0x80000048  }
0xb3: {  	_ =	swait.ge [sflag:s29], $0x1  }
0xb4: {  	[sflag:s29] =	ssyncadd.s32 $0xFFFFFFFF  }
0xb5: {  	_ =	strace $0x90000048  }
0xb6: {  	_ =	sfence  }
0xb7: {  	s30 =	sld [smem:$0x0];
	_ =	sdelay $0x2  }
0xb8: {  	s31 =	sshll.u32 s1, $0xD;
	s1 =	sshrl.u32 s1, $0x2  }
0xb9: {  	s3 =	sand.u32 $0x4000, s31;
	s1 =	sadd.s32 s1, s30  }
0xba: {  	s0 =	sor.u32 s3, s0;
	s1 =	sshll.u32 s1, $0x11  }
0xbb: {  	s0 =	sor.u32 s1, s0  }
0xbc: {  	s0 =	sadd.s32 $0x8F2B, s0  }
0xbd: {  	[sflag:s0] =	ssyncadd.remote.s32 $0x1  }
0xbe: {  	_ =	sfence.sel $0xFFFF  }
0xbf: {  	[dreg:$0x0] =	wrdreg $0xFFFFFFFF;
	(pc) =	sbr.abs _section_cstart, $3  }
0xc0: {  	[dreg:$0x1] =	wrdreg $0xFFFFFFFF  }
0xc1: {  	_ =	task.clear_ibuf [dreg:s7], $0x2FFFF;
	_ =	strace $0x9FFFFFFF  }
0xc2: {  	(tm) =	ssettm $0x7FFFFFFF  }
0xc3: {  	_ =	shalt  }
tec
execute0_lowered:
.L_overlay_start_1:
0x0: {  	(tag) =	ssettag $0x1  }
0x1: {  	s1 =	rddreg [dreg:$0x0]  }
0x2: {  	s4 =	rddreg [dreg:$0x1]  }
0x3: {  	s0 =	rddreg [dreg:$0x2];
	s3 =	simm.s32 $0x0;
	s5 =	srdreg.scid  }
0x4: {  	s2 =	stileid.u32;
	s12 =	simm.s32 $0x84D0;
	s13 =	simm.s32 $0x1  }
0x5: {  	s14 =	simm.s32 $0x2;
	s15 =	simm.s32 $0x3;
	s16 =	simm.s32 $0x4  }
0x6: {  	s17 =	simm.s32 $0x0;
	[smem:$0x7FF] =	sst s3;
	s6 =	smul.u32 $0x9C40, s2  }
0x7: {  	s5 =	sand.u32 $0x1, s5;
	s8 =	sadd.s32 $0x51A00, s4;
	s11 =	smul.u32 $0x27100, s2  }
0x8: {  	s9 =	sadd.s32 $0x65400, s4;
	s7 =	smul.u32 $0x4E20, s5;
	s29 =	ssub.s32 $0x2, s5  }
0x9: {  	_ =	strace $0x80000047;
	s5 =	smul.u32 $0x13880, s5;
	s10 =	sshrl.u32 s29, $0x1  }
0xa: {  	s30 =	sadd.s32 s11, s9;
	s11 =	simm.s32 $0x7D0;
	s6 =	sadd.s32 s7, s6  }
0xb: {  	s4 =	ssub.s32 s29, s10;
	s5 =	sadd.s32 s5, s30;
	s7 =	sadd.s32 $0x3E8, s6  }
0xc: {  	s10 =	simm.s32 $0x3E8;
	s6 =	sshrl.u32 s6, $0x3;
	s31 =	sshrl.u32 s7, $0x3  }
0xd: {  	s4 =	smax.u32 s4, $0x1;
	s6 =	sadd.s32 s6, s8;
	s7 =	sshll.u32 s31, $0x5  }
0xe: {  	s8 =	sadd.s32 s31, s8;
	s7 =	sadd.s32 s7, s9;
	s9 =	simm.s32 $0x5  }
.LBB2_1:
0xf: {  	s18 =	sadd.s32 $0x0, s6  }
0x10: {  	[tilespmem:s3], [sflag:$0x5] =	stream.linear.gather [hbm4b:s18+s3], $0x3E8, $0x38;
	[tilespmem:$0x101D0] =	vst v63  }
0x11: {  	_ =	swait.ge [sflag:s9], $0x3E8  }
0x12: {  	[sflag:s9] =	ssyncset.done $0x0  }
0x13: {  	[sflag:s9] =	ssyncadd.s32 $0xFFFFFC18  }
0x14: {  	[tilespmem:s11], [sflag:$0x1] =	stream.indirect.gather [hbm4b:s1+s10], $0x20, s3, s10, $0xb8;
	[tilespmem:$0x101D0] =	vst v63  }
0x15: {  	s31 =	sadd.s32 $0x0, s8  }
0x16: {  	[tilespmem:s10], [sflag:$0x5] =	stream.linear.gather [hbm4b:s31+s3], $0x3E8, $0x38;
	[tilespmem:$0x101D0] =	vst v63  }
0x17: {  	_ =	swait.ge [sflag:s9], $0x3E8  }
0x18: {  	[sflag:s9] =	ssyncset.done $0x0  }
0x19: {  	[sflag:s9] =	ssyncadd.s32 $0xFFFFFC18  }
0x1a: {  	[tilespmem:s12], [sflag:$0x2] =	stream.indirect.gather [hbm4b:s1+s10], $0x20, s10, s10, $0xb8;
	[tilespmem:$0x101D0] =	vst v63  }
0x1b: {  	_ =	swait.ge [sflag:s13], $0x7D00  }
0x1c: {  	[sflag:s13] =	ssyncset.done $0x0  }
0x1d: {  	[sflag:s13] =	ssyncadd.s32 $0xFFFF8300  }
0x1e: {  	[hbm4b:s5+s3] =	stream.linear.scatter [tilespmem:s11], [sflag:$0x3], $0x7D00, $0x38;
	[tilespmem:$0x101D0] =	vst v63  }
0x1f: {  	_ =	swait.ge [sflag:s14], $0x7D00  }
0x20: {  	[sflag:s14] =	ssyncset.done $0x0  }
0x21: {  	[sflag:s14] =	ssyncadd.s32 $0xFFFF8300  }
0x22: {  	[hbm4b:s7+s3] =	stream.linear.scatter [tilespmem:s12], [sflag:$0x4], $0x7D00, $0x38;
	[tilespmem:$0x101D0] =	vst v63  }
0x23: {  	_ =	swait.ge [sflag:s15], $0x7D00  }
0x24: {  	[sflag:s15] =	ssyncset.done $0x0  }
0x25: {  	[sflag:s15] =	ssyncadd.s32 $0xFFFF8300  }
0x26: {  	s20 =	simm.s32 $0xFA;
	s21 =	simm.s32 $0x1F4;
	_ =	swait.ge [sflag:s16], $0x7D00  }
0x27: {  	s19 =	sadd.s32 $0x1F40, s5;
	s18 =	sadd.s32 $0x1F40, s7;
	[sflag:s16] =	ssyncset.done $0x0  }
.LBB2_2:
0x28: {  	s22 =	sadd.s32 s20, s6  }
0x29: {  	[sflag:s16] =	ssyncadd.s32 $0xFFFF8300;
	s23 =	smov.u32 s21;
	s24 =	sadd.s32 $0xFA, s21  }
0x2a: {  	[tilespmem:s3], [sflag:$0x5] =	stream.linear.gather [hbm4b:s22+s3], $0x3E8, $0x38;
	[tilespmem:$0x101D0] =	vst v63  }
0x2b: {  	p0 =	sne.s32 s21, $0x8CA;
	_ =	swait.ge [sflag:s9], $0x3E8  }
0x2c: {  	[sflag:s9] =	ssyncset.done $0x0  }
0x2d: {  	[sflag:s9] =	ssyncadd.s32 $0xFFFFFC18  }
0x2e: {  	[tilespmem:s11], [sflag:$0x1] =	stream.indirect.gather [hbm4b:s1+s10], $0x20, s3, s10, $0xb8;
	[tilespmem:$0x101D0] =	vst v63  }
0x2f: {  	s21 =	sadd.s32 s20, s8;
	s20 =	smov.u32 s23  }
0x30: {  	[tilespmem:s10], [sflag:$0x5] =	stream.linear.gather [hbm4b:s21+s3], $0x3E8, $0x38;
	[tilespmem:$0x101D0] =	vst v63  }
0x31: {  	_ =	swait.ge [sflag:s9], $0x3E8  }
0x32: {  	[sflag:s9] =	ssyncset.done $0x0  }
0x33: {  	[sflag:s9] =	ssyncadd.s32 $0xFFFFFC18  }
0x34: {  	[tilespmem:s12], [sflag:$0x2] =	stream.indirect.gather [hbm4b:s1+s10], $0x20, s10, s10, $0xb8;
	[tilespmem:$0x101D0] =	vst v63  }
0x35: {  	_ =	swait.ge [sflag:s13], $0x7D00  }
0x36: {  	[sflag:s13] =	ssyncset.done $0x0  }
0x37: {  	[sflag:s13] =	ssyncadd.s32 $0xFFFF8300  }
0x38: {  	[hbm4b:s19+s3] =	stream.linear.scatter [tilespmem:s11], [sflag:$0x3], $0x7D00, $0x38;
	[tilespmem:$0x101D0] =	vst v63  }
0x39: {  	_ =	swait.ge [sflag:s14], $0x7D00  }
0x3a: {  	[sflag:s14] =	ssyncset.done $0x0  }
0x3b: {  	[sflag:s14] =	ssyncadd.s32 $0xFFFF8300  }
0x3c: {  	[hbm4b:s18+s3] =	stream.linear.scatter [tilespmem:s12], [sflag:$0x4], $0x7D00, $0x38;
	[tilespmem:$0x101D0] =	vst v63  }
.Ltmp0:
0x3d: {  	_ =	swait.ge [sflag:s15], $0x7D00;
	(pc) =	sbr.rel @p0 .LBB2_2-.Ltmp0, $4  }
0x3e: {  	[sflag:s15] =	ssyncset.done $0x0  }
0x3f: {  	[sflag:s15] =	ssyncadd.s32 $0xFFFF8300  }
0x40: {  	s21 =	smov.u32 s24;
	_ =	swait.ge [sflag:s16], $0x7D00  }
0x41: {  	s19 =	sadd.s32 $0x1F40, s19;
	s18 =	sadd.s32 $0x1F40, s18;
	[sflag:s16] =	ssyncset.done $0x0  }
0x42: {  	s21 =	sadd.s32 s20, s6;
	[sflag:s16] =	ssyncadd.s32 $0xFFFF8300  }
0x43: {  	[tilespmem:s3], [sflag:$0x5] =	stream.linear.gather [hbm4b:s21+s3], $0x3E8, $0x38;
	[tilespmem:$0x101D0] =	vst v63  }
0x44: {  	_ =	swait.ge [sflag:s9], $0x3E8  }
0x45: {  	[sflag:s9] =	ssyncset.done $0x0  }
0x46: {  	[sflag:s9] =	ssyncadd.s32 $0xFFFFFC18  }
0x47: {  	[tilespmem:s11], [sflag:$0x1] =	stream.indirect.gather [hbm4b:s1+s10], $0x20, s3, s10, $0xb8;
	[tilespmem:$0x101D0] =	vst v63  }
0x48: {  	s31 =	sadd.s32 s20, s8  }
0x49: {  	[tilespmem:s10], [sflag:$0x5] =	stream.linear.gather [hbm4b:s31+s3], $0x3E8, $0x38;
	[tilespmem:$0x101D0] =	vst v63  }
0x4a: {  	_ =	swait.ge [sflag:s9], $0x3E8  }
0x4b: {  	[sflag:s9] =	ssyncset.done $0x0  }
0x4c: {  	[sflag:s9] =	ssyncadd.s32 $0xFFFFFC18  }
0x4d: {  	[tilespmem:s12], [sflag:$0x2] =	stream.indirect.gather [hbm4b:s1+s10], $0x20, s10, s10, $0xb8;
	[tilespmem:$0x101D0] =	vst v63  }
0x4e: {  	_ =	swait.ge [sflag:s13], $0x7D00  }
0x4f: {  	[sflag:s13] =	ssyncset.done $0x0  }
0x50: {  	[sflag:s13] =	ssyncadd.s32 $0xFFFF8300  }
0x51: {  	[hbm4b:s19+s3] =	stream.linear.scatter [tilespmem:s11], [sflag:$0x3], $0x7D00, $0x38;
	[tilespmem:$0x101D0] =	vst v63  }
0x52: {  	_ =	swait.ge [sflag:s14], $0x7D00  }
0x53: {  	[sflag:s14] =	ssyncset.done $0x0  }
0x54: {  	s17 =	sadd.s32 $0x1, s17;
	[sflag:s14] =	ssyncadd.s32 $0xFFFF8300  }
0x55: {  	[hbm4b:s18+s3] =	stream.linear.scatter [tilespmem:s12], [sflag:$0x4], $0x7D00, $0x38;
	[tilespmem:$0x101D0] =	vst v63  }
0x56: {  	p0 =	sne.s32 s17, s4;
	_ =	swait.ge [sflag:s15], $0x7D00  }
.Ltmp1:
0x57: {  	[sflag:s15] =	ssyncset.done $0x0;
	(pc) =	sbr.rel @p0 .LBB2_1-.Ltmp1, $4  }
0x58: {  	[sflag:s15] =	ssyncadd.s32 $0xFFFF8300  }
0x59: {  	_ =	swait.ge [sflag:s16], $0x7D00  }
0x5a: {  	[sflag:s16] =	ssyncset.done $0x0  }
0x5b: {  	[sflag:s16] =	ssyncadd.s32 $0xFFFF8300  }
0x5c: {  	_ =	sfence.sel $0x180000  }
0x5d: {  	[bflag:$0x0] =	sbarrier.arrive $0xFFFF  }
0x5e: {  	p0 =	sne.s32 s2, $0x0;
	_ =	strace $0x90000047  }
0x5f: {  	s0 =	sadd.s32 @!p0 $0x100000, s0;
	[bflag:$0x2] =	sbarrier.arrive $0xFFFF  }
0x60: {  	[sflag:s0] =	ssyncadd.tile.s32 @!p0 $0x1;
	_ =	shalt  }
.Lfunc_end2:
_tile_overlayer_lowered:
.L_overlay_start_2:
0x61: {  	(tag) =	ssettag $0x2  }
0x62: {  	s0 =	rddreg [dreg:$0x0];
	s2 =	stileid.u32  }
0x63: {  	s1 =	rddreg [dreg:$0x1];
	p0 =	sne.s32 s2, $0x0  }
0x64: {  	s3 =	rddreg [dreg:$0x2];
	[bflag:$0x3] =	sbarrier.arrive $0xFFFF;
	s2 =	simm.s32 @!p0 $0x1C05  }
0x65: {  	[timem:s3], [sflag:s2] =	dma.local @!p0 [hbm:s0], s1  }
0x66: {  	s0 =	simm.s32 @!p0 $0x5  }
0x67: {  	_ =	swait.ge @!p0 [sflag:s0], s1  }
0x68: {  	s1 =	ssub.s32 @!p0 $0x0, s1;
	[sflag:s0] =	ssyncset.done @!p0 $0x0  }
0x69: {  	[sflag:s0] =	ssyncadd.s32 @!p0 s1  }
0x6a: {  	[bflag:$0x3] =	sbarrier.arrive $0xFFFF  }
0x6b: {  	_ =	shalt  }

</sc_bundles>
